<compile_context>
chip_gen: v7x
topology: tpu7x:2x2x1
jax: 0.10.2.dev20260603
libtpu: 0.0.44.dev20260713+nightly
codegen_flags: <defaults>
</compile_context>

<pallas_src>
import functools

import jax
import jax.numpy as jnp
from jax import lax
from jax.experimental import pallas as pl
from jax.experimental.pallas import tpu as pltpu
from jax.experimental.pallas import tpu_sc as plsc

B = 1024
L = 200
D = 128
NTOK = B * L
CHUNK = 80
NW = 32
CPW = NTOK // (NW * CHUNK)
NBUF = 8
GDEPTH = 4


def _build_kernel():
    mesh = plsc.VectorSubcoreMesh(core_axis_name="c", subcore_axis_name="s")
    info = plsc.get_sparse_core_info()
    nc = info.num_cores

    scratch = [pltpu.VMEM((CPW, CHUNK), jnp.int32)]
    scratch += [pltpu.VMEM((CHUNK, D), jnp.float32) for _ in range(NBUF)]
    scratch += [pltpu.SemaphoreType.DMA for _ in range(2 * NBUF)]

    @functools.partial(
        pl.kernel,
        out_type=jax.ShapeDtypeStruct((NTOK, D), jnp.float32),
        mesh=mesh,
        scratch_types=scratch,
    )
    def body(idx_hbm, emb_hbm, out_hbm, idx_v, *bufs_and_sems):
        bufs = bufs_and_sems[:NBUF]
        gsem = bufs_and_sems[NBUF:2 * NBUF]
        wsem = bufs_and_sems[2 * NBUF:]

        wid = lax.axis_index("s") * nc + lax.axis_index("c")
        base = wid * (CPW * CHUNK)
        pltpu.sync_copy(idx_hbm.at[wid], idx_v)
        for b in range(GDEPTH):
            pltpu.async_copy(emb_hbm.at[idx_v.at[b]], bufs[b], gsem[b])

        def group(i, carry):
            o = i * NBUF
            for b in range(NBUF):
                c = o + b
                nb = (b + GDEPTH) % NBUF
                pltpu.make_async_copy(
                    emb_hbm.at[idx_v.at[c]], bufs[b], gsem[b]).wait()
                pltpu.async_copy(
                    bufs[b], out_hbm.at[pl.ds(base + c * CHUNK, CHUNK)],
                    wsem[b])

                @pl.when(c + GDEPTH < CPW)
                def _(nb=nb, c=c):
                    @pl.when(c >= NBUF - GDEPTH)
                    def _():
                        pltpu.make_async_copy(
                            bufs[nb], out_hbm.at[pl.ds(base, CHUNK)],
                            wsem[nb]).wait()
                    pltpu.async_copy(
                        emb_hbm.at[idx_v.at[c + GDEPTH]], bufs[nb], gsem[nb])
            return carry

        lax.fori_loop(0, CPW // NBUF, group, 0)

        for b in range(NBUF):
            pltpu.make_async_copy(
                bufs[b], out_hbm.at[pl.ds(base, CHUNK)], wsem[b]).wait()

    return body


_kernel_fn = _build_kernel()


@jax.jit
def kernel(X, word_emb):
    idx = X.reshape(NW, CPW, CHUNK).astype(jnp.int32)
    out = _kernel_fn(idx, word_emb)
    return out.reshape(B, L, D)

# --- scband reference (transcript-rebuilt; emitter-appended) ---
"""Pipeline reference for scband-ebd-90271622628097 (READ-ONLY COPY).

The authoritative reference and input builder live on the scoring server;
editing this copy changes nothing except your own understanding.
"""

import jax, jax.numpy as jnp
import numpy as np

VOCAB_SIZE = 100000
D_MODEL = 128
B = 1024
L = 200

def setup_inputs(seed: int = 0) -> dict:
    key = jax.random.key(seed)
    k_idx, k_emb = jax.random.split(key)
    X = jax.random.randint(k_idx, (B, L), 0, VOCAB_SIZE, dtype=jnp.int64 if jax.config.jax_enable_x64 else jnp.int32)
    word_emb = jax.random.normal(k_emb, (VOCAB_SIZE, D_MODEL), dtype=jnp.float32)
    return {"X": X, "word_emb": word_emb}

def reference(X, word_emb):
    # nn.Embedding lookup: [B, L] -> [B, L, D]
    word_embedded = jnp.take(word_emb, X, axis=0)
    return word_embedded

if __name__ == "__main__":
    import jax
    _d = setup_inputs()
    print(jax.jit(kernel)(*tuple(_d.values())))

</pallas_src>

<mosaic_0001>
#map = affine_map<(d0, d1) -> (0, 0, 0)>
#map1 = affine_map<(d0, d1) -> (0, 0)>
module attributes {stable_mosaic.version = 14 : i64} {
  func.func @body(%arg0: i32, %arg1: i32, %arg2: memref<32x80x80xi32, #tpu.memory_space<hbm>>, %arg3: memref<100000x128xf32, #tpu.memory_space<hbm>>, %arg4: memref<204800x128xf32, #tpu.memory_space<hbm>>, %arg5: memref<80x80xi32, #tpu.memory_space<vmem>>, %arg6: memref<80x128xf32, #tpu.memory_space<vmem>>, %arg7: memref<80x128xf32, #tpu.memory_space<vmem>>, %arg8: memref<80x128xf32, #tpu.memory_space<vmem>>, %arg9: memref<80x128xf32, #tpu.memory_space<vmem>>, %arg10: memref<80x128xf32, #tpu.memory_space<vmem>>, %arg11: memref<80x128xf32, #tpu.memory_space<vmem>>, %arg12: memref<80x128xf32, #tpu.memory_space<vmem>>, %arg13: memref<80x128xf32, #tpu.memory_space<vmem>>, %arg14: memref<!tpu.dma_semaphore, #tpu.memory_space<semaphore_mem>>, %arg15: memref<!tpu.dma_semaphore, #tpu.memory_space<semaphore_mem>>, %arg16: memref<!tpu.dma_semaphore, #tpu.memory_space<semaphore_mem>>, %arg17: memref<!tpu.dma_semaphore, #tpu.memory_space<semaphore_mem>>, %arg18: memref<!tpu.dma_semaphore, #tpu.memory_space<semaphore_mem>>, %arg19: memref<!tpu.dma_semaphore, #tpu.memory_space<semaphore_mem>>, %arg20: memref<!tpu.dma_semaphore, #tpu.memory_space<semaphore_mem>>, %arg21: memref<!tpu.dma_semaphore, #tpu.memory_space<semaphore_mem>>, %arg22: memref<!tpu.dma_semaphore, #tpu.memory_space<semaphore_mem>>, %arg23: memref<!tpu.dma_semaphore, #tpu.memory_space<semaphore_mem>>, %arg24: memref<!tpu.dma_semaphore, #tpu.memory_space<semaphore_mem>>, %arg25: memref<!tpu.dma_semaphore, #tpu.memory_space<semaphore_mem>>, %arg26: memref<!tpu.dma_semaphore, #tpu.memory_space<semaphore_mem>>, %arg27: memref<!tpu.dma_semaphore, #tpu.memory_space<semaphore_mem>>, %arg28: memref<!tpu.dma_semaphore, #tpu.memory_space<semaphore_mem>>, %arg29: memref<!tpu.dma_semaphore, #tpu.memory_space<semaphore_mem>>) attributes {dimension_semantics = [#tpu.dimension_semantics<core_parallel>, #tpu.dimension_semantics<subcore_parallel>], iteration_bounds = array<i64: 2, 16>, scalar_prefetch = 0 : i64, scratch_operands = 25 : i64, tpu.core_type = #tpu.core_type<sc_vector_subcore>, window_params = [{transform_indices = #map}, {transform_indices = #map1}, {transform_indices = #map1}]} {
    %mul3A = arith.constant 2 : i32
    %mul3A_0 = arith.muli %arg1, %mul3A : i32
    %add3A = arith.addi %mul3A_0, %arg0 : i32
    %mul3A_1 = arith.constant 6400 : i32
    %mul3A_2 = arith.muli %add3A, %mul3A_1 : i32
    "tpu.region"() ({
      %run_scoped3A = tpu.sem_alloc : memref<!tpu.dma_semaphore, #tpu.memory_space<semaphore_mem>>
      %dma_start3A_66 = arith.constant 0 : i32
      %dma_start3A_67 = arith.constant 0 : i32
      %dma_start3A_68 = tpu.memref_slice %arg2[%add3A, %dma_start3A_66, %dma_start3A_67] : memref<32x80x80xi32, #tpu.memory_space<hbm>> -> memref<1x80x80xi32, #tpu.memory_space<hbm>>
      %dma_start3A_69 = tpu.memref_squeeze %dma_start3A_68 : memref<1x80x80xi32, #tpu.memory_space<hbm>> -> memref<80x80xi32, #tpu.memory_space<hbm>>
      %dma_start3A_70 = arith.constant 0 : i32
      %dma_start3A_71 = arith.constant 0 : i32
      %dma_start3A_72 = tpu.memref_slice %arg2[%add3A, %dma_start3A_70, %dma_start3A_71] : memref<32x80x80xi32, #tpu.memory_space<hbm>> -> memref<1x80x80xi32, #tpu.memory_space<hbm>>
      %dma_start3A_73 = tpu.memref_squeeze %dma_start3A_72 : memref<1x80x80xi32, #tpu.memory_space<hbm>> -> memref<80x80xi32, #tpu.memory_space<hbm>>
      tpu.enqueue_dma source(%dma_start3A_73 : memref<80x80xi32, #tpu.memory_space<hbm>>) target(%arg5 : memref<80x80xi32, #tpu.memory_space<vmem>>) target_semaphore(%run_scoped3A : memref<!tpu.dma_semaphore, #tpu.memory_space<semaphore_mem>>)
      %dma_wait3A_74 = arith.constant 0 : i32
      %dma_wait3A_75 = arith.constant 0 : i32
      %dma_wait3A_76 = tpu.memref_slice %arg2[%add3A, %dma_wait3A_74, %dma_wait3A_75] : memref<32x80x80xi32, #tpu.memory_space<hbm>> -> memref<1x80x80xi32, #tpu.memory_space<hbm>>
      %dma_wait3A_77 = tpu.memref_squeeze %dma_wait3A_76 : memref<1x80x80xi32, #tpu.memory_space<hbm>> -> memref<80x80xi32, #tpu.memory_space<hbm>>
      %dma_wait3A_78 = arith.constant 0 : i32
      %dma_wait3A_79 = arith.constant 0 : i32
      %dma_wait3A_80 = tpu.memref_slice %arg2[%add3A, %dma_wait3A_78, %dma_wait3A_79] : memref<32x80x80xi32, #tpu.memory_space<hbm>> -> memref<1x80x80xi32, #tpu.memory_space<hbm>>
      %dma_wait3A_81 = tpu.memref_squeeze %dma_wait3A_80 : memref<1x80x80xi32, #tpu.memory_space<hbm>> -> memref<80x80xi32, #tpu.memory_space<hbm>>
      tpu.wait_dma2 semaphore(%run_scoped3A : memref<!tpu.dma_semaphore, #tpu.memory_space<semaphore_mem>>) src(%dma_wait3A_81 : memref<80x80xi32, #tpu.memory_space<hbm>>) dst(%arg5 : memref<80x80xi32, #tpu.memory_space<vmem>>)
      tpu.yield
    }) : () -> ()
    %dma_start3A = arith.constant 0 : i32
    %dma_start3A_3 = arith.constant 0 : i32
    %dma_start3A_4 = tpu.memref_slice %arg5[%dma_start3A, %dma_start3A_3] : memref<80x80xi32, #tpu.memory_space<vmem>> -> memref<1x80xi32, #tpu.memory_space<vmem>>
    %dma_start3A_5 = tpu.memref_squeeze %dma_start3A_4 : memref<1x80xi32, #tpu.memory_space<vmem>> -> memref<80xi32, #tpu.memory_space<vmem>>
    %dma_start3A_6 = arith.constant 0 : i32
    %dma_start3A_7 = arith.constant 0 : i32
    %dma_start3A_8 = tpu.memref_slice %arg3[%dma_start3A_6, %dma_start3A_7] : memref<100000x128xf32, #tpu.memory_space<hbm>> -> memref<100000x128xf32, #tpu.memory_space<hbm>>
    tpu.enqueue_indirect_dma source(%dma_start3A_8 : memref<100000x128xf32, #tpu.memory_space<hbm>>) target(%arg6 : memref<80x128xf32, #tpu.memory_space<vmem>>) offsets(%dma_start3A_5 : memref<80xi32, #tpu.memory_space<vmem>>) semaphore(%arg14 : memref<!tpu.dma_semaphore, #tpu.memory_space<semaphore_mem>>)
    %dma_start3A_9 = arith.constant 1 : i32
    %dma_start3A_10 = arith.constant 0 : i32
    %dma_start3A_11 = tpu.memref_slice %arg5[%dma_start3A_9, %dma_start3A_10] : memref<80x80xi32, #tpu.memory_space<vmem>> -> memref<1x80xi32, #tpu.memory_space<vmem>>
    %dma_start3A_12 = tpu.memref_squeeze %dma_start3A_11 : memref<1x80xi32, #tpu.memory_space<vmem>> -> memref<80xi32, #tpu.memory_space<vmem>>
    %dma_start3A_13 = arith.constant 0 : i32
    %dma_start3A_14 = arith.constant 0 : i32
    %dma_start3A_15 = tpu.memref_slice %arg3[%dma_start3A_13, %dma_start3A_14] : memref<100000x128xf32, #tpu.memory_space<hbm>> -> memref<100000x128xf32, #tpu.memory_space<hbm>>
    tpu.enqueue_indirect_dma source(%dma_start3A_15 : memref<100000x128xf32, #tpu.memory_space<hbm>>) target(%arg7 : memref<80x128xf32, #tpu.memory_space<vmem>>) offsets(%dma_start3A_12 : memref<80xi32, #tpu.memory_space<vmem>>) semaphore(%arg15 : memref<!tpu.dma_semaphore, #tpu.memory_space<semaphore_mem>>)
    %dma_start3A_16 = arith.constant 2 : i32
    %dma_start3A_17 = arith.constant 0 : i32
    %dma_start3A_18 = tpu.memref_slice %arg5[%dma_start3A_16, %dma_start3A_17] : memref<80x80xi32, #tpu.memory_space<vmem>> -> memref<1x80xi32, #tpu.memory_space<vmem>>
    %dma_start3A_19 = tpu.memref_squeeze %dma_start3A_18 : memref<1x80xi32, #tpu.memory_space<vmem>> -> memref<80xi32, #tpu.memory_space<vmem>>
    %dma_start3A_20 = arith.constant 0 : i32
    %dma_start3A_21 = arith.constant 0 : i32
    %dma_start3A_22 = tpu.memref_slice %arg3[%dma_start3A_20, %dma_start3A_21] : memref<100000x128xf32, #tpu.memory_space<hbm>> -> memref<100000x128xf32, #tpu.memory_space<hbm>>
    tpu.enqueue_indirect_dma source(%dma_start3A_22 : memref<100000x128xf32, #tpu.memory_space<hbm>>) target(%arg8 : memref<80x128xf32, #tpu.memory_space<vmem>>) offsets(%dma_start3A_19 : memref<80xi32, #tpu.memory_space<vmem>>) semaphore(%arg16 : memref<!tpu.dma_semaphore, #tpu.memory_space<semaphore_mem>>)
    %dma_start3A_23 = arith.constant 3 : i32
    %dma_start3A_24 = arith.constant 0 : i32
    %dma_start3A_25 = tpu.memref_slice %arg5[%dma_start3A_23, %dma_start3A_24] : memref<80x80xi32, #tpu.memory_space<vmem>> -> memref<1x80xi32, #tpu.memory_space<vmem>>
    %dma_start3A_26 = tpu.memref_squeeze %dma_start3A_25 : memref<1x80xi32, #tpu.memory_space<vmem>> -> memref<80xi32, #tpu.memory_space<vmem>>
    %dma_start3A_27 = arith.constant 0 : i32
    %dma_start3A_28 = arith.constant 0 : i32
    %dma_start3A_29 = tpu.memref_slice %arg3[%dma_start3A_27, %dma_start3A_28] : memref<100000x128xf32, #tpu.memory_space<hbm>> -> memref<100000x128xf32, #tpu.memory_space<hbm>>
    tpu.enqueue_indirect_dma source(%dma_start3A_29 : memref<100000x128xf32, #tpu.memory_space<hbm>>) target(%arg9 : memref<80x128xf32, #tpu.memory_space<vmem>>) offsets(%dma_start3A_26 : memref<80xi32, #tpu.memory_space<vmem>>) semaphore(%arg17 : memref<!tpu.dma_semaphore, #tpu.memory_space<semaphore_mem>>)
    %scan3A = arith.constant 0 : i32
    %scan3A_30 = arith.constant 0 : i32
    %scan3A_31 = arith.constant 10 : i32
    %scan3A_32 = arith.addi %scan3A_30, %scan3A_31 : i32
    %scan3A_33 = arith.constant 1 : i32
    scf.for %scan3A_66 = %scan3A_30 to %scan3A_32 step %scan3A_33  : i32 {
      %mul3A_67 = arith.constant 8 : i32
      %mul3A_68 = arith.muli %scan3A_66, %mul3A_67 : i32
      %add3A_69 = arith.constant 0 : i32
      %add3A_70 = arith.addi %mul3A_68, %add3A_69 : i32
      %dma_wait3A_71 = arith.constant 0 : i32
      %dma_wait3A_72 = tpu.memref_slice %arg5[%add3A_70, %dma_wait3A_71] : memref<80x80xi32, #tpu.memory_space<vmem>> -> memref<1x80xi32, #tpu.memory_space<vmem>>
      %dma_wait3A_73 = tpu.memref_squeeze %dma_wait3A_72 : memref<1x80xi32, #tpu.memory_space<vmem>> -> memref<80xi32, #tpu.memory_space<vmem>>
      %dma_wait3A_74 = arith.constant 0 : i32
      %dma_wait3A_75 = arith.constant 0 : i32
      %dma_wait3A_76 = tpu.memref_slice %arg3[%dma_wait3A_74, %dma_wait3A_75] : memref<100000x128xf32, #tpu.memory_space<hbm>> -> memref<100000x128xf32, #tpu.memory_space<hbm>>
      tpu.wait_indirect_dma semaphore(%arg14 : memref<!tpu.dma_semaphore, #tpu.memory_space<semaphore_mem>>) src(%dma_wait3A_76 : memref<100000x128xf32, #tpu.memory_space<hbm>>) dst(%arg6 : memref<80x128xf32, #tpu.memory_space<vmem>>)
      %mul3A_77 = arith.constant 80 : i32
      %mul3A_78 = arith.muli %add3A_70, %mul3A_77 : i32
      %add3A_79 = arith.addi %mul3A_2, %mul3A_78 : i32
      %dma_start3A_80 = arith.constant 0 : i32
      %dma_start3A_81 = tpu.memref_slice %arg4[%add3A_79, %dma_start3A_80] : memref<204800x128xf32, #tpu.memory_space<hbm>> -> memref<80x128xf32, #tpu.memory_space<hbm>>
      %dma_start3A_82 = arith.constant 0 : i32
      %dma_start3A_83 = tpu.memref_slice %arg4[%add3A_79, %dma_start3A_82] : memref<204800x128xf32, #tpu.memory_space<hbm>> -> memref<80x128xf32, #tpu.memory_space<hbm>>
      tpu.enqueue_dma source(%arg6 : memref<80x128xf32, #tpu.memory_space<vmem>>) target(%dma_start3A_83 : memref<80x128xf32, #tpu.memory_space<hbm>>) target_semaphore(%arg22 : memref<!tpu.dma_semaphore, #tpu.memory_space<semaphore_mem>>)
      %add3A_84 = arith.constant 4 : i32
      %add3A_85 = arith.addi %add3A_70, %add3A_84 : i32
      %lt3A = arith.constant 80 : i32
      %lt3A_86 = arith.cmpi slt, %add3A_85, %lt3A : i32
      %convert_element_type3A = arith.extui %lt3A_86 : i1 to i32
      %cond3A = arith.constant 0 : i32
      %cond3A_87 = arith.cmpi ne, %convert_element_type3A, %cond3A : i32
      scf.if %cond3A_87 {
        %ge3A = arith.constant 4 : i32
        %ge3A_242 = arith.cmpi sge, %add3A_70, %ge3A : i32
        %convert_element_type3A_243 = arith.extui %ge3A_242 : i1 to i32
        %cond3A_244 = arith.constant 0 : i32
        %cond3A_245 = arith.cmpi ne, %convert_element_type3A_243, %cond3A_244 : i32
        scf.if %cond3A_245 {
          %dma_wait3A_254 = arith.constant 0 : i32
          %dma_wait3A_255 = tpu.memref_slice %arg4[%mul3A_2, %dma_wait3A_254] : memref<204800x128xf32, #tpu.memory_space<hbm>> -> memref<80x128xf32, #tpu.memory_space<hbm>>
          %dma_wait3A_256 = arith.constant 0 : i32
          %dma_wait3A_257 = tpu.memref_slice %arg4[%mul3A_2, %dma_wait3A_256] : memref<204800x128xf32, #tpu.memory_space<hbm>> -> memref<80x128xf32, #tpu.memory_space<hbm>>
          tpu.wait_dma2 semaphore(%arg26 : memref<!tpu.dma_semaphore, #tpu.memory_space<semaphore_mem>>) src(%arg10 : memref<80x128xf32, #tpu.memory_space<vmem>>) dst(%dma_wait3A_257 : memref<80x128xf32, #tpu.memory_space<hbm>>)
        } else {
        }
        %add3A_246 = arith.constant 4 : i32
        %add3A_247 = arith.addi %add3A_70, %add3A_246 : i32
        %dma_start3A_248 = arith.constant 0 : i32
        %dma_start3A_249 = tpu.memref_slice %arg5[%add3A_247, %dma_start3A_248] : memref<80x80xi32, #tpu.memory_space<vmem>> -> memref<1x80xi32, #tpu.memory_space<vmem>>
        %dma_start3A_250 = tpu.memref_squeeze %dma_start3A_249 : memref<1x80xi32, #tpu.memory_space<vmem>> -> memref<80xi32, #tpu.memory_space<vmem>>
        %dma_start3A_251 = arith.constant 0 : i32
        %dma_start3A_252 = arith.constant 0 : i32
        %dma_start3A_253 = tpu.memref_slice %arg3[%dma_start3A_251, %dma_start3A_252] : memref<100000x128xf32, #tpu.memory_space<hbm>> -> memref<100000x128xf32, #tpu.memory_space<hbm>>
        tpu.enqueue_indirect_dma source(%dma_start3A_253 : memref<100000x128xf32, #tpu.memory_space<hbm>>) target(%arg10 : memref<80x128xf32, #tpu.memory_space<vmem>>) offsets(%dma_start3A_250 : memref<80xi32, #tpu.memory_space<vmem>>) semaphore(%arg18 : memref<!tpu.dma_semaphore, #tpu.memory_space<semaphore_mem>>)
      } else {
      }
      %add3A_88 = arith.constant 1 : i32
      %add3A_89 = arith.addi %mul3A_68, %add3A_88 : i32
      %dma_wait3A_90 = arith.constant 0 : i32
      %dma_wait3A_91 = tpu.memref_slice %arg5[%add3A_89, %dma_wait3A_90] : memref<80x80xi32, #tpu.memory_space<vmem>> -> memref<1x80xi32, #tpu.memory_space<vmem>>
      %dma_wait3A_92 = tpu.memref_squeeze %dma_wait3A_91 : memref<1x80xi32, #tpu.memory_space<vmem>> -> memref<80xi32, #tpu.memory_space<vmem>>
      %dma_wait3A_93 = arith.constant 0 : i32
      %dma_wait3A_94 = arith.constant 0 : i32
      %dma_wait3A_95 = tpu.memref_slice %arg3[%dma_wait3A_93, %dma_wait3A_94] : memref<100000x128xf32, #tpu.memory_space<hbm>> -> memref<100000x128xf32, #tpu.memory_space<hbm>>
      tpu.wait_indirect_dma semaphore(%arg15 : memref<!tpu.dma_semaphore, #tpu.memory_space<semaphore_mem>>) src(%dma_wait3A_95 : memref<100000x128xf32, #tpu.memory_space<hbm>>) dst(%arg7 : memref<80x128xf32, #tpu.memory_space<vmem>>)
      %mul3A_96 = arith.constant 80 : i32
      %mul3A_97 = arith.muli %add3A_89, %mul3A_96 : i32
      %add3A_98 = arith.addi %mul3A_2, %mul3A_97 : i32
      %dma_start3A_99 = arith.constant 0 : i32
      %dma_start3A_100 = tpu.memref_slice %arg4[%add3A_98, %dma_start3A_99] : memref<204800x128xf32, #tpu.memory_space<hbm>> -> memref<80x128xf32, #tpu.memory_space<hbm>>
      %dma_start3A_101 = arith.constant 0 : i32
      %dma_start3A_102 = tpu.memref_slice %arg4[%add3A_98, %dma_start3A_101] : memref<204800x128xf32, #tpu.memory_space<hbm>> -> memref<80x128xf32, #tpu.memory_space<hbm>>
      tpu.enqueue_dma source(%arg7 : memref<80x128xf32, #tpu.memory_space<vmem>>) target(%dma_start3A_102 : memref<80x128xf32, #tpu.memory_space<hbm>>) target_semaphore(%arg23 : memref<!tpu.dma_semaphore, #tpu.memory_space<semaphore_mem>>)
      %add3A_103 = arith.constant 4 : i32
      %add3A_104 = arith.addi %add3A_89, %add3A_103 : i32
      %lt3A_105 = arith.constant 80 : i32
      %lt3A_106 = arith.cmpi slt, %add3A_104, %lt3A_105 : i32
      %convert_element_type3A_107 = arith.extui %lt3A_106 : i1 to i32
      %cond3A_108 = arith.constant 0 : i32
      %cond3A_109 = arith.cmpi ne, %convert_element_type3A_107, %cond3A_108 : i32
      scf.if %cond3A_109 {
        %ge3A = arith.constant 4 : i32
        %ge3A_242 = arith.cmpi sge, %add3A_89, %ge3A : i32
        %convert_element_type3A_243 = arith.extui %ge3A_242 : i1 to i32
        %cond3A_244 = arith.constant 0 : i32
        %cond3A_245 = arith.cmpi ne, %convert_element_type3A_243, %cond3A_244 : i32
        scf.if %cond3A_245 {
          %dma_wait3A_254 = arith.constant 0 : i32
          %dma_wait3A_255 = tpu.memref_slice %arg4[%mul3A_2, %dma_wait3A_254] : memref<204800x128xf32, #tpu.memory_space<hbm>> -> memref<80x128xf32, #tpu.memory_space<hbm>>
          %dma_wait3A_256 = arith.constant 0 : i32
          %dma_wait3A_257 = tpu.memref_slice %arg4[%mul3A_2, %dma_wait3A_256] : memref<204800x128xf32, #tpu.memory_space<hbm>> -> memref<80x128xf32, #tpu.memory_space<hbm>>
          tpu.wait_dma2 semaphore(%arg27 : memref<!tpu.dma_semaphore, #tpu.memory_space<semaphore_mem>>) src(%arg11 : memref<80x128xf32, #tpu.memory_space<vmem>>) dst(%dma_wait3A_257 : memref<80x128xf32, #tpu.memory_space<hbm>>)
        } else {
        }
        %add3A_246 = arith.constant 4 : i32
        %add3A_247 = arith.addi %add3A_89, %add3A_246 : i32
        %dma_start3A_248 = arith.constant 0 : i32
        %dma_start3A_249 = tpu.memref_slice %arg5[%add3A_247, %dma_start3A_248] : memref<80x80xi32, #tpu.memory_space<vmem>> -> memref<1x80xi32, #tpu.memory_space<vmem>>
        %dma_start3A_250 = tpu.memref_squeeze %dma_start3A_249 : memref<1x80xi32, #tpu.memory_space<vmem>> -> memref<80xi32, #tpu.memory_space<vmem>>
        %dma_start3A_251 = arith.constant 0 : i32
        %dma_start3A_252 = arith.constant 0 : i32
        %dma_start3A_253 = tpu.memref_slice %arg3[%dma_start3A_251, %dma_start3A_252] : memref<100000x128xf32, #tpu.memory_space<hbm>> -> memref<100000x128xf32, #tpu.memory_space<hbm>>
        tpu.enqueue_indirect_dma source(%dma_start3A_253 : memref<100000x128xf32, #tpu.memory_space<hbm>>) target(%arg11 : memref<80x128xf32, #tpu.memory_space<vmem>>) offsets(%dma_start3A_250 : memref<80xi32, #tpu.memory_space<vmem>>) semaphore(%arg19 : memref<!tpu.dma_semaphore, #tpu.memory_space<semaphore_mem>>)
      } else {
      }
      %add3A_110 = arith.constant 2 : i32
      %add3A_111 = arith.addi %mul3A_68, %add3A_110 : i32
      %dma_wait3A_112 = arith.constant 0 : i32
      %dma_wait3A_113 = tpu.memref_slice %arg5[%add3A_111, %dma_wait3A_112] : memref<80x80xi32, #tpu.memory_space<vmem>> -> memref<1x80xi32, #tpu.memory_space<vmem>>
      %dma_wait3A_114 = tpu.memref_squeeze %dma_wait3A_113 : memref<1x80xi32, #tpu.memory_space<vmem>> -> memref<80xi32, #tpu.memory_space<vmem>>
      %dma_wait3A_115 = arith.constant 0 : i32
      %dma_wait3A_116 = arith.constant 0 : i32
      %dma_wait3A_117 = tpu.memref_slice %arg3[%dma_wait3A_115, %dma_wait3A_116] : memref<100000x128xf32, #tpu.memory_space<hbm>> -> memref<100000x128xf32, #tpu.memory_space<hbm>>
      tpu.wait_indirect_dma semaphore(%arg16 : memref<!tpu.dma_semaphore, #tpu.memory_space<semaphore_mem>>) src(%dma_wait3A_117 : memref<100000x128xf32, #tpu.memory_space<hbm>>) dst(%arg8 : memref<80x128xf32, #tpu.memory_space<vmem>>)
      %mul3A_118 = arith.constant 80 : i32
      %mul3A_119 = arith.muli %add3A_111, %mul3A_118 : i32
      %add3A_120 = arith.addi %mul3A_2, %mul3A_119 : i32
      %dma_start3A_121 = arith.constant 0 : i32
      %dma_start3A_122 = tpu.memref_slice %arg4[%add3A_120, %dma_start3A_121] : memref<204800x128xf32, #tpu.memory_space<hbm>> -> memref<80x128xf32, #tpu.memory_space<hbm>>
      %dma_start3A_123 = arith.constant 0 : i32
      %dma_start3A_124 = tpu.memref_slice %arg4[%add3A_120, %dma_start3A_123] : memref<204800x128xf32, #tpu.memory_space<hbm>> -> memref<80x128xf32, #tpu.memory_space<hbm>>
      tpu.enqueue_dma source(%arg8 : memref<80x128xf32, #tpu.memory_space<vmem>>) target(%dma_start3A_124 : memref<80x128xf32, #tpu.memory_space<hbm>>) target_semaphore(%arg24 : memref<!tpu.dma_semaphore, #tpu.memory_space<semaphore_mem>>)
      %add3A_125 = arith.constant 4 : i32
      %add3A_126 = arith.addi %add3A_111, %add3A_125 : i32
      %lt3A_127 = arith.constant 80 : i32
      %lt3A_128 = arith.cmpi slt, %add3A_126, %lt3A_127 : i32
      %convert_element_type3A_129 = arith.extui %lt3A_128 : i1 to i32
      %cond3A_130 = arith.constant 0 : i32
      %cond3A_131 = arith.cmpi ne, %convert_element_type3A_129, %cond3A_130 : i32
      scf.if %cond3A_131 {
        %ge3A = arith.constant 4 : i32
        %ge3A_242 = arith.cmpi sge, %add3A_111, %ge3A : i32
        %convert_element_type3A_243 = arith.extui %ge3A_242 : i1 to i32
        %cond3A_244 = arith.constant 0 : i32
        %cond3A_245 = arith.cmpi ne, %convert_element_type3A_243, %cond3A_244 : i32
        scf.if %cond3A_245 {
          %dma_wait3A_254 = arith.constant 0 : i32
          %dma_wait3A_255 = tpu.memref_slice %arg4[%mul3A_2, %dma_wait3A_254] : memref<204800x128xf32, #tpu.memory_space<hbm>> -> memref<80x128xf32, #tpu.memory_space<hbm>>
          %dma_wait3A_256 = arith.constant 0 : i32
          %dma_wait3A_257 = tpu.memref_slice %arg4[%mul3A_2, %dma_wait3A_256] : memref<204800x128xf32, #tpu.memory_space<hbm>> -> memref<80x128xf32, #tpu.memory_space<hbm>>
          tpu.wait_dma2 semaphore(%arg28 : memref<!tpu.dma_semaphore, #tpu.memory_space<semaphore_mem>>) src(%arg12 : memref<80x128xf32, #tpu.memory_space<vmem>>) dst(%dma_wait3A_257 : memref<80x128xf32, #tpu.memory_space<hbm>>)
        } else {
        }
        %add3A_246 = arith.constant 4 : i32
        %add3A_247 = arith.addi %add3A_111, %add3A_246 : i32
        %dma_start3A_248 = arith.constant 0 : i32
        %dma_start3A_249 = tpu.memref_slice %arg5[%add3A_247, %dma_start3A_248] : memref<80x80xi32, #tpu.memory_space<vmem>> -> memref<1x80xi32, #tpu.memory_space<vmem>>
        %dma_start3A_250 = tpu.memref_squeeze %dma_start3A_249 : memref<1x80xi32, #tpu.memory_space<vmem>> -> memref<80xi32, #tpu.memory_space<vmem>>
        %dma_start3A_251 = arith.constant 0 : i32
        %dma_start3A_252 = arith.constant 0 : i32
        %dma_start3A_253 = tpu.memref_slice %arg3[%dma_start3A_251, %dma_start3A_252] : memref<100000x128xf32, #tpu.memory_space<hbm>> -> memref<100000x128xf32, #tpu.memory_space<hbm>>
        tpu.enqueue_indirect_dma source(%dma_start3A_253 : memref<100000x128xf32, #tpu.memory_space<hbm>>) target(%arg12 : memref<80x128xf32, #tpu.memory_space<vmem>>) offsets(%dma_start3A_250 : memref<80xi32, #tpu.memory_space<vmem>>) semaphore(%arg20 : memref<!tpu.dma_semaphore, #tpu.memory_space<semaphore_mem>>)
      } else {
      }
      %add3A_132 = arith.constant 3 : i32
      %add3A_133 = arith.addi %mul3A_68, %add3A_132 : i32
      %dma_wait3A_134 = arith.constant 0 : i32
      %dma_wait3A_135 = tpu.memref_slice %arg5[%add3A_133, %dma_wait3A_134] : memref<80x80xi32, #tpu.memory_space<vmem>> -> memref<1x80xi32, #tpu.memory_space<vmem>>
      %dma_wait3A_136 = tpu.memref_squeeze %dma_wait3A_135 : memref<1x80xi32, #tpu.memory_space<vmem>> -> memref<80xi32, #tpu.memory_space<vmem>>
      %dma_wait3A_137 = arith.constant 0 : i32
      %dma_wait3A_138 = arith.constant 0 : i32
      %dma_wait3A_139 = tpu.memref_slice %arg3[%dma_wait3A_137, %dma_wait3A_138] : memref<100000x128xf32, #tpu.memory_space<hbm>> -> memref<100000x128xf32, #tpu.memory_space<hbm>>
      tpu.wait_indirect_dma semaphore(%arg17 : memref<!tpu.dma_semaphore, #tpu.memory_space<semaphore_mem>>) src(%dma_wait3A_139 : memref<100000x128xf32, #tpu.memory_space<hbm>>) dst(%arg9 : memref<80x128xf32, #tpu.memory_space<vmem>>)
      %mul3A_140 = arith.constant 80 : i32
      %mul3A_141 = arith.muli %add3A_133, %mul3A_140 : i32
      %add3A_142 = arith.addi %mul3A_2, %mul3A_141 : i32
      %dma_start3A_143 = arith.constant 0 : i32
      %dma_start3A_144 = tpu.memref_slice %arg4[%add3A_142, %dma_start3A_143] : memref<204800x128xf32, #tpu.memory_space<hbm>> -> memref<80x128xf32, #tpu.memory_space<hbm>>
      %dma_start3A_145 = arith.constant 0 : i32
      %dma_start3A_146 = tpu.memref_slice %arg4[%add3A_142, %dma_start3A_145] : memref<204800x128xf32, #tpu.memory_space<hbm>> -> memref<80x128xf32, #tpu.memory_space<hbm>>
      tpu.enqueue_dma source(%arg9 : memref<80x128xf32, #tpu.memory_space<vmem>>) target(%dma_start3A_146 : memref<80x128xf32, #tpu.memory_space<hbm>>) target_semaphore(%arg25 : memref<!tpu.dma_semaphore, #tpu.memory_space<semaphore_mem>>)
      %add3A_147 = arith.constant 4 : i32
      %add3A_148 = arith.addi %add3A_133, %add3A_147 : i32
      %lt3A_149 = arith.constant 80 : i32
      %lt3A_150 = arith.cmpi slt, %add3A_148, %lt3A_149 : i32
      %convert_element_type3A_151 = arith.extui %lt3A_150 : i1 to i32
      %cond3A_152 = arith.constant 0 : i32
      %cond3A_153 = arith.cmpi ne, %convert_element_type3A_151, %cond3A_152 : i32
      scf.if %cond3A_153 {
        %ge3A = arith.constant 4 : i32
        %ge3A_242 = arith.cmpi sge, %add3A_133, %ge3A : i32
        %convert_element_type3A_243 = arith.extui %ge3A_242 : i1 to i32
        %cond3A_244 = arith.constant 0 : i32
        %cond3A_245 = arith.cmpi ne, %convert_element_type3A_243, %cond3A_244 : i32
        scf.if %cond3A_245 {
          %dma_wait3A_254 = arith.constant 0 : i32
          %dma_wait3A_255 = tpu.memref_slice %arg4[%mul3A_2, %dma_wait3A_254] : memref<204800x128xf32, #tpu.memory_space<hbm>> -> memref<80x128xf32, #tpu.memory_space<hbm>>
          %dma_wait3A_256 = arith.constant 0 : i32
          %dma_wait3A_257 = tpu.memref_slice %arg4[%mul3A_2, %dma_wait3A_256] : memref<204800x128xf32, #tpu.memory_space<hbm>> -> memref<80x128xf32, #tpu.memory_space<hbm>>
          tpu.wait_dma2 semaphore(%arg29 : memref<!tpu.dma_semaphore, #tpu.memory_space<semaphore_mem>>) src(%arg13 : memref<80x128xf32, #tpu.memory_space<vmem>>) dst(%dma_wait3A_257 : memref<80x128xf32, #tpu.memory_space<hbm>>)
        } else {
        }
        %add3A_246 = arith.constant 4 : i32
        %add3A_247 = arith.addi %add3A_133, %add3A_246 : i32
        %dma_start3A_248 = arith.constant 0 : i32
        %dma_start3A_249 = tpu.memref_slice %arg5[%add3A_247, %dma_start3A_248] : memref<80x80xi32, #tpu.memory_space<vmem>> -> memref<1x80xi32, #tpu.memory_space<vmem>>
        %dma_start3A_250 = tpu.memref_squeeze %dma_start3A_249 : memref<1x80xi32, #tpu.memory_space<vmem>> -> memref<80xi32, #tpu.memory_space<vmem>>
        %dma_start3A_251 = arith.constant 0 : i32
        %dma_start3A_252 = arith.constant 0 : i32
        %dma_start3A_253 = tpu.memref_slice %arg3[%dma_start3A_251, %dma_start3A_252] : memref<100000x128xf32, #tpu.memory_space<hbm>> -> memref<100000x128xf32, #tpu.memory_space<hbm>>
        tpu.enqueue_indirect_dma source(%dma_start3A_253 : memref<100000x128xf32, #tpu.memory_space<hbm>>) target(%arg13 : memref<80x128xf32, #tpu.memory_space<vmem>>) offsets(%dma_start3A_250 : memref<80xi32, #tpu.memory_space<vmem>>) semaphore(%arg21 : memref<!tpu.dma_semaphore, #tpu.memory_space<semaphore_mem>>)
      } else {
      }
      %add3A_154 = arith.constant 4 : i32
      %add3A_155 = arith.addi %mul3A_68, %add3A_154 : i32
      %dma_wait3A_156 = arith.constant 0 : i32
      %dma_wait3A_157 = tpu.memref_slice %arg5[%add3A_155, %dma_wait3A_156] : memref<80x80xi32, #tpu.memory_space<vmem>> -> memref<1x80xi32, #tpu.memory_space<vmem>>
      %dma_wait3A_158 = tpu.memref_squeeze %dma_wait3A_157 : memref<1x80xi32, #tpu.memory_space<vmem>> -> memref<80xi32, #tpu.memory_space<vmem>>
      %dma_wait3A_159 = arith.constant 0 : i32
      %dma_wait3A_160 = arith.constant 0 : i32
      %dma_wait3A_161 = tpu.memref_slice %arg3[%dma_wait3A_159, %dma_wait3A_160] : memref<100000x128xf32, #tpu.memory_space<hbm>> -> memref<100000x128xf32, #tpu.memory_space<hbm>>
      tpu.wait_indirect_dma semaphore(%arg18 : memref<!tpu.dma_semaphore, #tpu.memory_space<semaphore_mem>>) src(%dma_wait3A_161 : memref<100000x128xf32, #tpu.memory_space<hbm>>) dst(%arg10 : memref<80x128xf32, #tpu.memory_space<vmem>>)
      %mul3A_162 = arith.constant 80 : i32
      %mul3A_163 = arith.muli %add3A_155, %mul3A_162 : i32
      %add3A_164 = arith.addi %mul3A_2, %mul3A_163 : i32
      %dma_start3A_165 = arith.constant 0 : i32
      %dma_start3A_166 = tpu.memref_slice %arg4[%add3A_164, %dma_start3A_165] : memref<204800x128xf32, #tpu.memory_space<hbm>> -> memref<80x128xf32, #tpu.memory_space<hbm>>
      %dma_start3A_167 = arith.constant 0 : i32
      %dma_start3A_168 = tpu.memref_slice %arg4[%add3A_164, %dma_start3A_167] : memref<204800x128xf32, #tpu.memory_space<hbm>> -> memref<80x128xf32, #tpu.memory_space<hbm>>
      tpu.enqueue_dma source(%arg10 : memref<80x128xf32, #tpu.memory_space<vmem>>) target(%dma_start3A_168 : memref<80x128xf32, #tpu.memory_space<hbm>>) target_semaphore(%arg26 : memref<!tpu.dma_semaphore, #tpu.memory_space<semaphore_mem>>)
      %add3A_169 = arith.constant 4 : i32
      %add3A_170 = arith.addi %add3A_155, %add3A_169 : i32
      %lt3A_171 = arith.constant 80 : i32
      %lt3A_172 = arith.cmpi slt, %add3A_170, %lt3A_171 : i32
      %convert_element_type3A_173 = arith.extui %lt3A_172 : i1 to i32
      %cond3A_174 = arith.constant 0 : i32
      %cond3A_175 = arith.cmpi ne, %convert_element_type3A_173, %cond3A_174 : i32
      scf.if %cond3A_175 {
        %ge3A = arith.constant 4 : i32
        %ge3A_242 = arith.cmpi sge, %add3A_155, %ge3A : i32
        %convert_element_type3A_243 = arith.extui %ge3A_242 : i1 to i32
        %cond3A_244 = arith.constant 0 : i32
        %cond3A_245 = arith.cmpi ne, %convert_element_type3A_243, %cond3A_244 : i32
        scf.if %cond3A_245 {
          %dma_wait3A_254 = arith.constant 0 : i32
          %dma_wait3A_255 = tpu.memref_slice %arg4[%mul3A_2, %dma_wait3A_254] : memref<204800x128xf32, #tpu.memory_space<hbm>> -> memref<80x128xf32, #tpu.memory_space<hbm>>
          %dma_wait3A_256 = arith.constant 0 : i32
          %dma_wait3A_257 = tpu.memref_slice %arg4[%mul3A_2, %dma_wait3A_256] : memref<204800x128xf32, #tpu.memory_space<hbm>> -> memref<80x128xf32, #tpu.memory_space<hbm>>
          tpu.wait_dma2 semaphore(%arg22 : memref<!tpu.dma_semaphore, #tpu.memory_space<semaphore_mem>>) src(%arg6 : memref<80x128xf32, #tpu.memory_space<vmem>>) dst(%dma_wait3A_257 : memref<80x128xf32, #tpu.memory_space<hbm>>)
        } else {
        }
        %add3A_246 = arith.constant 4 : i32
        %add3A_247 = arith.addi %add3A_155, %add3A_246 : i32
        %dma_start3A_248 = arith.constant 0 : i32
        %dma_start3A_249 = tpu.memref_slice %arg5[%add3A_247, %dma_start3A_248] : memref<80x80xi32, #tpu.memory_space<vmem>> -> memref<1x80xi32, #tpu.memory_space<vmem>>
        %dma_start3A_250 = tpu.memref_squeeze %dma_start3A_249 : memref<1x80xi32, #tpu.memory_space<vmem>> -> memref<80xi32, #tpu.memory_space<vmem>>
        %dma_start3A_251 = arith.constant 0 : i32
        %dma_start3A_252 = arith.constant 0 : i32
        %dma_start3A_253 = tpu.memref_slice %arg3[%dma_start3A_251, %dma_start3A_252] : memref<100000x128xf32, #tpu.memory_space<hbm>> -> memref<100000x128xf32, #tpu.memory_space<hbm>>
        tpu.enqueue_indirect_dma source(%dma_start3A_253 : memref<100000x128xf32, #tpu.memory_space<hbm>>) target(%arg6 : memref<80x128xf32, #tpu.memory_space<vmem>>) offsets(%dma_start3A_250 : memref<80xi32, #tpu.memory_space<vmem>>) semaphore(%arg14 : memref<!tpu.dma_semaphore, #tpu.memory_space<semaphore_mem>>)
      } else {
      }
      %add3A_176 = arith.constant 5 : i32
      %add3A_177 = arith.addi %mul3A_68, %add3A_176 : i32
      %dma_wait3A_178 = arith.constant 0 : i32
      %dma_wait3A_179 = tpu.memref_slice %arg5[%add3A_177, %dma_wait3A_178] : memref<80x80xi32, #tpu.memory_space<vmem>> -> memref<1x80xi32, #tpu.memory_space<vmem>>
      %dma_wait3A_180 = tpu.memref_squeeze %dma_wait3A_179 : memref<1x80xi32, #tpu.memory_space<vmem>> -> memref<80xi32, #tpu.memory_space<vmem>>
      %dma_wait3A_181 = arith.constant 0 : i32
      %dma_wait3A_182 = arith.constant 0 : i32
      %dma_wait3A_183 = tpu.memref_slice %arg3[%dma_wait3A_181, %dma_wait3A_182] : memref<100000x128xf32, #tpu.memory_space<hbm>> -> memref<100000x128xf32, #tpu.memory_space<hbm>>
      tpu.wait_indirect_dma semaphore(%arg19 : memref<!tpu.dma_semaphore, #tpu.memory_space<semaphore_mem>>) src(%dma_wait3A_183 : memref<100000x128xf32, #tpu.memory_space<hbm>>) dst(%arg11 : memref<80x128xf32, #tpu.memory_space<vmem>>)
      %mul3A_184 = arith.constant 80 : i32
      %mul3A_185 = arith.muli %add3A_177, %mul3A_184 : i32
      %add3A_186 = arith.addi %mul3A_2, %mul3A_185 : i32
      %dma_start3A_187 = arith.constant 0 : i32
      %dma_start3A_188 = tpu.memref_slice %arg4[%add3A_186, %dma_start3A_187] : memref<204800x128xf32, #tpu.memory_space<hbm>> -> memref<80x128xf32, #tpu.memory_space<hbm>>
      %dma_start3A_189 = arith.constant 0 : i32
      %dma_start3A_190 = tpu.memref_slice %arg4[%add3A_186, %dma_start3A_189] : memref<204800x128xf32, #tpu.memory_space<hbm>> -> memref<80x128xf32, #tpu.memory_space<hbm>>
      tpu.enqueue_dma source(%arg11 : memref<80x128xf32, #tpu.memory_space<vmem>>) target(%dma_start3A_190 : memref<80x128xf32, #tpu.memory_space<hbm>>) target_semaphore(%arg27 : memref<!tpu.dma_semaphore, #tpu.memory_space<semaphore_mem>>)
      %add3A_191 = arith.constant 4 : i32
      %add3A_192 = arith.addi %add3A_177, %add3A_191 : i32
      %lt3A_193 = arith.constant 80 : i32
      %lt3A_194 = arith.cmpi slt, %add3A_192, %lt3A_193 : i32
      %convert_element_type3A_195 = arith.extui %lt3A_194 : i1 to i32
      %cond3A_196 = arith.constant 0 : i32
      %cond3A_197 = arith.cmpi ne, %convert_element_type3A_195, %cond3A_196 : i32
      scf.if %cond3A_197 {
        %ge3A = arith.constant 4 : i32
        %ge3A_242 = arith.cmpi sge, %add3A_177, %ge3A : i32
        %convert_element_type3A_243 = arith.extui %ge3A_242 : i1 to i32
        %cond3A_244 = arith.constant 0 : i32
        %cond3A_245 = arith.cmpi ne, %convert_element_type3A_243, %cond3A_244 : i32
        scf.if %cond3A_245 {
          %dma_wait3A_254 = arith.constant 0 : i32
          %dma_wait3A_255 = tpu.memref_slice %arg4[%mul3A_2, %dma_wait3A_254] : memref<204800x128xf32, #tpu.memory_space<hbm>> -> memref<80x128xf32, #tpu.memory_space<hbm>>
          %dma_wait3A_256 = arith.constant 0 : i32
          %dma_wait3A_257 = tpu.memref_slice %arg4[%mul3A_2, %dma_wait3A_256] : memref<204800x128xf32, #tpu.memory_space<hbm>> -> memref<80x128xf32, #tpu.memory_space<hbm>>
          tpu.wait_dma2 semaphore(%arg23 : memref<!tpu.dma_semaphore, #tpu.memory_space<semaphore_mem>>) src(%arg7 : memref<80x128xf32, #tpu.memory_space<vmem>>) dst(%dma_wait3A_257 : memref<80x128xf32, #tpu.memory_space<hbm>>)
        } else {
        }
        %add3A_246 = arith.constant 4 : i32
        %add3A_247 = arith.addi %add3A_177, %add3A_246 : i32
        %dma_start3A_248 = arith.constant 0 : i32
        %dma_start3A_249 = tpu.memref_slice %arg5[%add3A_247, %dma_start3A_248] : memref<80x80xi32, #tpu.memory_space<vmem>> -> memref<1x80xi32, #tpu.memory_space<vmem>>
        %dma_start3A_250 = tpu.memref_squeeze %dma_start3A_249 : memref<1x80xi32, #tpu.memory_space<vmem>> -> memref<80xi32, #tpu.memory_space<vmem>>
        %dma_start3A_251 = arith.constant 0 : i32
        %dma_start3A_252 = arith.constant 0 : i32
        %dma_start3A_253 = tpu.memref_slice %arg3[%dma_start3A_251, %dma_start3A_252] : memref<100000x128xf32, #tpu.memory_space<hbm>> -> memref<100000x128xf32, #tpu.memory_space<hbm>>
        tpu.enqueue_indirect_dma source(%dma_start3A_253 : memref<100000x128xf32, #tpu.memory_space<hbm>>) target(%arg7 : memref<80x128xf32, #tpu.memory_space<vmem>>) offsets(%dma_start3A_250 : memref<80xi32, #tpu.memory_space<vmem>>) semaphore(%arg15 : memref<!tpu.dma_semaphore, #tpu.memory_space<semaphore_mem>>)
      } else {
      }
      %add3A_198 = arith.constant 6 : i32
      %add3A_199 = arith.addi %mul3A_68, %add3A_198 : i32
      %dma_wait3A_200 = arith.constant 0 : i32
      %dma_wait3A_201 = tpu.memref_slice %arg5[%add3A_199, %dma_wait3A_200] : memref<80x80xi32, #tpu.memory_space<vmem>> -> memref<1x80xi32, #tpu.memory_space<vmem>>
      %dma_wait3A_202 = tpu.memref_squeeze %dma_wait3A_201 : memref<1x80xi32, #tpu.memory_space<vmem>> -> memref<80xi32, #tpu.memory_space<vmem>>
      %dma_wait3A_203 = arith.constant 0 : i32
      %dma_wait3A_204 = arith.constant 0 : i32
      %dma_wait3A_205 = tpu.memref_slice %arg3[%dma_wait3A_203, %dma_wait3A_204] : memref<100000x128xf32, #tpu.memory_space<hbm>> -> memref<100000x128xf32, #tpu.memory_space<hbm>>
      tpu.wait_indirect_dma semaphore(%arg20 : memref<!tpu.dma_semaphore, #tpu.memory_space<semaphore_mem>>) src(%dma_wait3A_205 : memref<100000x128xf32, #tpu.memory_space<hbm>>) dst(%arg12 : memref<80x128xf32, #tpu.memory_space<vmem>>)
      %mul3A_206 = arith.constant 80 : i32
      %mul3A_207 = arith.muli %add3A_199, %mul3A_206 : i32
      %add3A_208 = arith.addi %mul3A_2, %mul3A_207 : i32
      %dma_start3A_209 = arith.constant 0 : i32
      %dma_start3A_210 = tpu.memref_slice %arg4[%add3A_208, %dma_start3A_209] : memref<204800x128xf32, #tpu.memory_space<hbm>> -> memref<80x128xf32, #tpu.memory_space<hbm>>
      %dma_start3A_211 = arith.constant 0 : i32
      %dma_start3A_212 = tpu.memref_slice %arg4[%add3A_208, %dma_start3A_211] : memref<204800x128xf32, #tpu.memory_space<hbm>> -> memref<80x128xf32, #tpu.memory_space<hbm>>
      tpu.enqueue_dma source(%arg12 : memref<80x128xf32, #tpu.memory_space<vmem>>) target(%dma_start3A_212 : memref<80x128xf32, #tpu.memory_space<hbm>>) target_semaphore(%arg28 : memref<!tpu.dma_semaphore, #tpu.memory_space<semaphore_mem>>)
      %add3A_213 = arith.constant 4 : i32
      %add3A_214 = arith.addi %add3A_199, %add3A_213 : i32
      %lt3A_215 = arith.constant 80 : i32
      %lt3A_216 = arith.cmpi slt, %add3A_214, %lt3A_215 : i32
      %convert_element_type3A_217 = arith.extui %lt3A_216 : i1 to i32
      %cond3A_218 = arith.constant 0 : i32
      %cond3A_219 = arith.cmpi ne, %convert_element_type3A_217, %cond3A_218 : i32
      scf.if %cond3A_219 {
        %ge3A = arith.constant 4 : i32
        %ge3A_242 = arith.cmpi sge, %add3A_199, %ge3A : i32
        %convert_element_type3A_243 = arith.extui %ge3A_242 : i1 to i32
        %cond3A_244 = arith.constant 0 : i32
        %cond3A_245 = arith.cmpi ne, %convert_element_type3A_243, %cond3A_244 : i32
        scf.if %cond3A_245 {
          %dma_wait3A_254 = arith.constant 0 : i32
          %dma_wait3A_255 = tpu.memref_slice %arg4[%mul3A_2, %dma_wait3A_254] : memref<204800x128xf32, #tpu.memory_space<hbm>> -> memref<80x128xf32, #tpu.memory_space<hbm>>
          %dma_wait3A_256 = arith.constant 0 : i32
          %dma_wait3A_257 = tpu.memref_slice %arg4[%mul3A_2, %dma_wait3A_256] : memref<204800x128xf32, #tpu.memory_space<hbm>> -> memref<80x128xf32, #tpu.memory_space<hbm>>
          tpu.wait_dma2 semaphore(%arg24 : memref<!tpu.dma_semaphore, #tpu.memory_space<semaphore_mem>>) src(%arg8 : memref<80x128xf32, #tpu.memory_space<vmem>>) dst(%dma_wait3A_257 : memref<80x128xf32, #tpu.memory_space<hbm>>)
        } else {
        }
        %add3A_246 = arith.constant 4 : i32
        %add3A_247 = arith.addi %add3A_199, %add3A_246 : i32
        %dma_start3A_248 = arith.constant 0 : i32
        %dma_start3A_249 = tpu.memref_slice %arg5[%add3A_247, %dma_start3A_248] : memref<80x80xi32, #tpu.memory_space<vmem>> -> memref<1x80xi32, #tpu.memory_space<vmem>>
        %dma_start3A_250 = tpu.memref_squeeze %dma_start3A_249 : memref<1x80xi32, #tpu.memory_space<vmem>> -> memref<80xi32, #tpu.memory_space<vmem>>
        %dma_start3A_251 = arith.constant 0 : i32
        %dma_start3A_252 = arith.constant 0 : i32
        %dma_start3A_253 = tpu.memref_slice %arg3[%dma_start3A_251, %dma_start3A_252] : memref<100000x128xf32, #tpu.memory_space<hbm>> -> memref<100000x128xf32, #tpu.memory_space<hbm>>
        tpu.enqueue_indirect_dma source(%dma_start3A_253 : memref<100000x128xf32, #tpu.memory_space<hbm>>) target(%arg8 : memref<80x128xf32, #tpu.memory_space<vmem>>) offsets(%dma_start3A_250 : memref<80xi32, #tpu.memory_space<vmem>>) semaphore(%arg16 : memref<!tpu.dma_semaphore, #tpu.memory_space<semaphore_mem>>)
      } else {
      }
      %add3A_220 = arith.constant 7 : i32
      %add3A_221 = arith.addi %mul3A_68, %add3A_220 : i32
      %dma_wait3A_222 = arith.constant 0 : i32
      %dma_wait3A_223 = tpu.memref_slice %arg5[%add3A_221, %dma_wait3A_222] : memref<80x80xi32, #tpu.memory_space<vmem>> -> memref<1x80xi32, #tpu.memory_space<vmem>>
      %dma_wait3A_224 = tpu.memref_squeeze %dma_wait3A_223 : memref<1x80xi32, #tpu.memory_space<vmem>> -> memref<80xi32, #tpu.memory_space<vmem>>
      %dma_wait3A_225 = arith.constant 0 : i32
      %dma_wait3A_226 = arith.constant 0 : i32
      %dma_wait3A_227 = tpu.memref_slice %arg3[%dma_wait3A_225, %dma_wait3A_226] : memref<100000x128xf32, #tpu.memory_space<hbm>> -> memref<100000x128xf32, #tpu.memory_space<hbm>>
      tpu.wait_indirect_dma semaphore(%arg21 : memref<!tpu.dma_semaphore, #tpu.memory_space<semaphore_mem>>) src(%dma_wait3A_227 : memref<100000x128xf32, #tpu.memory_space<hbm>>) dst(%arg13 : memref<80x128xf32, #tpu.memory_space<vmem>>)
      %mul3A_228 = arith.constant 80 : i32
      %mul3A_229 = arith.muli %add3A_221, %mul3A_228 : i32
      %add3A_230 = arith.addi %mul3A_2, %mul3A_229 : i32
      %dma_start3A_231 = arith.constant 0 : i32
      %dma_start3A_232 = tpu.memref_slice %arg4[%add3A_230, %dma_start3A_231] : memref<204800x128xf32, #tpu.memory_space<hbm>> -> memref<80x128xf32, #tpu.memory_space<hbm>>
      %dma_start3A_233 = arith.constant 0 : i32
      %dma_start3A_234 = tpu.memref_slice %arg4[%add3A_230, %dma_start3A_233] : memref<204800x128xf32, #tpu.memory_space<hbm>> -> memref<80x128xf32, #tpu.memory_space<hbm>>
      tpu.enqueue_dma source(%arg13 : memref<80x128xf32, #tpu.memory_space<vmem>>) target(%dma_start3A_234 : memref<80x128xf32, #tpu.memory_space<hbm>>) target_semaphore(%arg29 : memref<!tpu.dma_semaphore, #tpu.memory_space<semaphore_mem>>)
      %add3A_235 = arith.constant 4 : i32
      %add3A_236 = arith.addi %add3A_221, %add3A_235 : i32
      %lt3A_237 = arith.constant 80 : i32
      %lt3A_238 = arith.cmpi slt, %add3A_236, %lt3A_237 : i32
      %convert_element_type3A_239 = arith.extui %lt3A_238 : i1 to i32
      %cond3A_240 = arith.constant 0 : i32
      %cond3A_241 = arith.cmpi ne, %convert_element_type3A_239, %cond3A_240 : i32
      scf.if %cond3A_241 {
        %ge3A = arith.constant 4 : i32
        %ge3A_242 = arith.cmpi sge, %add3A_221, %ge3A : i32
        %convert_element_type3A_243 = arith.extui %ge3A_242 : i1 to i32
        %cond3A_244 = arith.constant 0 : i32
        %cond3A_245 = arith.cmpi ne, %convert_element_type3A_243, %cond3A_244 : i32
        scf.if %cond3A_245 {
          %dma_wait3A_254 = arith.constant 0 : i32
          %dma_wait3A_255 = tpu.memref_slice %arg4[%mul3A_2, %dma_wait3A_254] : memref<204800x128xf32, #tpu.memory_space<hbm>> -> memref<80x128xf32, #tpu.memory_space<hbm>>
          %dma_wait3A_256 = arith.constant 0 : i32
          %dma_wait3A_257 = tpu.memref_slice %arg4[%mul3A_2, %dma_wait3A_256] : memref<204800x128xf32, #tpu.memory_space<hbm>> -> memref<80x128xf32, #tpu.memory_space<hbm>>
          tpu.wait_dma2 semaphore(%arg25 : memref<!tpu.dma_semaphore, #tpu.memory_space<semaphore_mem>>) src(%arg9 : memref<80x128xf32, #tpu.memory_space<vmem>>) dst(%dma_wait3A_257 : memref<80x128xf32, #tpu.memory_space<hbm>>)
        } else {
        }
        %add3A_246 = arith.constant 4 : i32
        %add3A_247 = arith.addi %add3A_221, %add3A_246 : i32
        %dma_start3A_248 = arith.constant 0 : i32
        %dma_start3A_249 = tpu.memref_slice %arg5[%add3A_247, %dma_start3A_248] : memref<80x80xi32, #tpu.memory_space<vmem>> -> memref<1x80xi32, #tpu.memory_space<vmem>>
        %dma_start3A_250 = tpu.memref_squeeze %dma_start3A_249 : memref<1x80xi32, #tpu.memory_space<vmem>> -> memref<80xi32, #tpu.memory_space<vmem>>
        %dma_start3A_251 = arith.constant 0 : i32
        %dma_start3A_252 = arith.constant 0 : i32
        %dma_start3A_253 = tpu.memref_slice %arg3[%dma_start3A_251, %dma_start3A_252] : memref<100000x128xf32, #tpu.memory_space<hbm>> -> memref<100000x128xf32, #tpu.memory_space<hbm>>
        tpu.enqueue_indirect_dma source(%dma_start3A_253 : memref<100000x128xf32, #tpu.memory_space<hbm>>) target(%arg9 : memref<80x128xf32, #tpu.memory_space<vmem>>) offsets(%dma_start3A_250 : memref<80xi32, #tpu.memory_space<vmem>>) semaphore(%arg17 : memref<!tpu.dma_semaphore, #tpu.memory_space<semaphore_mem>>)
      } else {
      }
    }
    %scan3A_34 = arith.constant 10 : i32
    %dma_wait3A = arith.constant 0 : i32
    %dma_wait3A_35 = tpu.memref_slice %arg4[%mul3A_2, %dma_wait3A] : memref<204800x128xf32, #tpu.memory_space<hbm>> -> memref<80x128xf32, #tpu.memory_space<hbm>>
    %dma_wait3A_36 = arith.constant 0 : i32
    %dma_wait3A_37 = tpu.memref_slice %arg4[%mul3A_2, %dma_wait3A_36] : memref<204800x128xf32, #tpu.memory_space<hbm>> -> memref<80x128xf32, #tpu.memory_space<hbm>>
    tpu.wait_dma2 semaphore(%arg22 : memref<!tpu.dma_semaphore, #tpu.memory_space<semaphore_mem>>) src(%arg6 : memref<80x128xf32, #tpu.memory_space<vmem>>) dst(%dma_wait3A_37 : memref<80x128xf32, #tpu.memory_space<hbm>>)
    %dma_wait3A_38 = arith.constant 0 : i32
    %dma_wait3A_39 = tpu.memref_slice %arg4[%mul3A_2, %dma_wait3A_38] : memref<204800x128xf32, #tpu.memory_space<hbm>> -> memref<80x128xf32, #tpu.memory_space<hbm>>
    %dma_wait3A_40 = arith.constant 0 : i32
    %dma_wait3A_41 = tpu.memref_slice %arg4[%mul3A_2, %dma_wait3A_40] : memref<204800x128xf32, #tpu.memory_space<hbm>> -> memref<80x128xf32, #tpu.memory_space<hbm>>
    tpu.wait_dma2 semaphore(%arg23 : memref<!tpu.dma_semaphore, #tpu.memory_space<semaphore_mem>>) src(%arg7 : memref<80x128xf32, #tpu.memory_space<vmem>>) dst(%dma_wait3A_41 : memref<80x128xf32, #tpu.memory_space<hbm>>)
    %dma_wait3A_42 = arith.constant 0 : i32
    %dma_wait3A_43 = tpu.memref_slice %arg4[%mul3A_2, %dma_wait3A_42] : memref<204800x128xf32, #tpu.memory_space<hbm>> -> memref<80x128xf32, #tpu.memory_space<hbm>>
    %dma_wait3A_44 = arith.constant 0 : i32
    %dma_wait3A_45 = tpu.memref_slice %arg4[%mul3A_2, %dma_wait3A_44] : memref<204800x128xf32, #tpu.memory_space<hbm>> -> memref<80x128xf32, #tpu.memory_space<hbm>>
    tpu.wait_dma2 semaphore(%arg24 : memref<!tpu.dma_semaphore, #tpu.memory_space<semaphore_mem>>) src(%arg8 : memref<80x128xf32, #tpu.memory_space<vmem>>) dst(%dma_wait3A_45 : memref<80x128xf32, #tpu.memory_space<hbm>>)
    %dma_wait3A_46 = arith.constant 0 : i32
    %dma_wait3A_47 = tpu.memref_slice %arg4[%mul3A_2, %dma_wait3A_46] : memref<204800x128xf32, #tpu.memory_space<hbm>> -> memref<80x128xf32, #tpu.memory_space<hbm>>
    %dma_wait3A_48 = arith.constant 0 : i32
    %dma_wait3A_49 = tpu.memref_slice %arg4[%mul3A_2, %dma_wait3A_48] : memref<204800x128xf32, #tpu.memory_space<hbm>> -> memref<80x128xf32, #tpu.memory_space<hbm>>
    tpu.wait_dma2 semaphore(%arg25 : memref<!tpu.dma_semaphore, #tpu.memory_space<semaphore_mem>>) src(%arg9 : memref<80x128xf32, #tpu.memory_space<vmem>>) dst(%dma_wait3A_49 : memref<80x128xf32, #tpu.memory_space<hbm>>)
    %dma_wait3A_50 = arith.constant 0 : i32
    %dma_wait3A_51 = tpu.memref_slice %arg4[%mul3A_2, %dma_wait3A_50] : memref<204800x128xf32, #tpu.memory_space<hbm>> -> memref<80x128xf32, #tpu.memory_space<hbm>>
    %dma_wait3A_52 = arith.constant 0 : i32
    %dma_wait3A_53 = tpu.memref_slice %arg4[%mul3A_2, %dma_wait3A_52] : memref<204800x128xf32, #tpu.memory_space<hbm>> -> memref<80x128xf32, #tpu.memory_space<hbm>>
    tpu.wait_dma2 semaphore(%arg26 : memref<!tpu.dma_semaphore, #tpu.memory_space<semaphore_mem>>) src(%arg10 : memref<80x128xf32, #tpu.memory_space<vmem>>) dst(%dma_wait3A_53 : memref<80x128xf32, #tpu.memory_space<hbm>>)
    %dma_wait3A_54 = arith.constant 0 : i32
    %dma_wait3A_55 = tpu.memref_slice %arg4[%mul3A_2, %dma_wait3A_54] : memref<204800x128xf32, #tpu.memory_space<hbm>> -> memref<80x128xf32, #tpu.memory_space<hbm>>
    %dma_wait3A_56 = arith.constant 0 : i32
    %dma_wait3A_57 = tpu.memref_slice %arg4[%mul3A_2, %dma_wait3A_56] : memref<204800x128xf32, #tpu.memory_space<hbm>> -> memref<80x128xf32, #tpu.memory_space<hbm>>
    tpu.wait_dma2 semaphore(%arg27 : memref<!tpu.dma_semaphore, #tpu.memory_space<semaphore_mem>>) src(%arg11 : memref<80x128xf32, #tpu.memory_space<vmem>>) dst(%dma_wait3A_57 : memref<80x128xf32, #tpu.memory_space<hbm>>)
    %dma_wait3A_58 = arith.constant 0 : i32
    %dma_wait3A_59 = tpu.memref_slice %arg4[%mul3A_2, %dma_wait3A_58] : memref<204800x128xf32, #tpu.memory_space<hbm>> -> memref<80x128xf32, #tpu.memory_space<hbm>>
    %dma_wait3A_60 = arith.constant 0 : i32
    %dma_wait3A_61 = tpu.memref_slice %arg4[%mul3A_2, %dma_wait3A_60] : memref<204800x128xf32, #tpu.memory_space<hbm>> -> memref<80x128xf32, #tpu.memory_space<hbm>>
    tpu.wait_dma2 semaphore(%arg28 : memref<!tpu.dma_semaphore, #tpu.memory_space<semaphore_mem>>) src(%arg12 : memref<80x128xf32, #tpu.memory_space<vmem>>) dst(%dma_wait3A_61 : memref<80x128xf32, #tpu.memory_space<hbm>>)
    %dma_wait3A_62 = arith.constant 0 : i32
    %dma_wait3A_63 = tpu.memref_slice %arg4[%mul3A_2, %dma_wait3A_62] : memref<204800x128xf32, #tpu.memory_space<hbm>> -> memref<80x128xf32, #tpu.memory_space<hbm>>
    %dma_wait3A_64 = arith.constant 0 : i32
    %dma_wait3A_65 = tpu.memref_slice %arg4[%mul3A_2, %dma_wait3A_64] : memref<204800x128xf32, #tpu.memory_space<hbm>> -> memref<80x128xf32, #tpu.memory_space<hbm>>
    tpu.wait_dma2 semaphore(%arg29 : memref<!tpu.dma_semaphore, #tpu.memory_space<semaphore_mem>>) src(%arg13 : memref<80x128xf32, #tpu.memory_space<vmem>>) dst(%dma_wait3A_65 : memref<80x128xf32, #tpu.memory_space<hbm>>)
    return
  }
}

</mosaic_0001>

<sc_bundles>
// kernel: kernel.3.cloned.1.call-start
scs
__scs_entry_jumppad:
0x0: {  	(pc) =	sbr.rel $0x88, $3  }
0x1: {  	(tag) =	ssettag $0x0;
	lr =	simm.s32 $0x1  }
0x2: {  	[smem:$0x3F9F] =	sst lr;
	_ =	strace $0xD0000000  }
0x3: {  	_ = 	snop  }
0x4: {  	_ = 	snop  }
0x5: {  	_ = 	snop  }
0x6: {  	_ = 	snop  }
0x7: {  	_ = 	snop  }
__scs_overlays_trampoline_lowered:
0x8: {  	[smem:$0x3FAE] =	sst s0  }
0x9: {  	[smem:$0x3FAF] =	sst s1  }
0xa: {  	[smem:$0x3FB0] =	sst s2  }
0xb: {  	[smem:$0x3FB1] =	sst s3  }
0xc: {  	[smem:$0x3FB2] =	sst s4  }
0xd: {  	[smem:$0x3FB3] =	sst s5  }
0xe: {  	[smem:$0x3FB4] =	sst s6  }
0xf: {  	[smem:$0x3FB5] =	sst s7  }
0x10: {  	[smem:$0x3FB6] =	sst s8  }
0x11: {  	[smem:$0x3FB7] =	sst s9;
	s0 =	simm.s32 @!p0 $0x0  }
0x12: {  	s1 =	sld [smem:$0x3F9D];
	s0 =	simm.s32 @p0 $0x1  }
0x13: {  	[smem:$0x3FB8] =	sst s0;
	s0 =	simm.s32 @!p1 $0x0  }
0x14: {  	s2 =	sld [smem:$0x3F9C];
	s0 =	simm.s32 @p1 $0x1  }
0x15: {  	[smem:$0x3FB9] =	sst s0;
	s0 =	simm.s32 @!p2 $0x0  }
0x16: {  	s3 =	sld [smem:$0x3FDB];
	s0 =	simm.s32 @p2 $0x1  }
0x17: {  	s4 =	simm.s32 $0x1BF5;
	[smem:$0x3FBB] =	sst s0  }
0x18: {  	s0 =	sld [smem:$0x3F9E];
	_ =	swait.ge [sflag:s4], $0x0  }
0x19: {  	s7 =	sld [smem:$0x3F9F]  }
0x1a: {  	s8 =	sadd.s32 $0xFFFFE003, lr  }
0x1b: {  	s9 =	sadd.s32 $0xFFFFFEF7, lr;
	s5 =	simm.s32 $0xFFFFFFFF;
	p2 =	slt.u32 s8, $0xFFFFF086  }
0x1c: {  	p1 =	slt.u32 s9, $0xF7A;
	s5 =	simm.s32 @!p2 $0x0  }
0x1d: {  	s5 =	simm.s32 @p1 $0x1;
	p0 =	seq.s32 s7, s2  }
0x1e: {  	s7 =	smul.u32 @!p0 $0xF7A, s2;
	p2 =	seq.s32 @!p0 s5, $0x0  }
0x1f: {  	s9 =	smul.u32 $0xF7A, s1;
	s8 =	simm.s32 @!p0 $0x1BF5;
	p2 =	por !p2, p0  }
0x20: {  	[sflag:s8] =	ssyncset.s32 @!p0 $0xFFFFF086;
	s6 =	sadd.s32 @!p0 s3, s7;
	s7 =	simm.s32 @!p0 $0x108  }
0x21: {  	s3 =	sadd.s32 s3, s9;
	s6 =	sadd.s32 @!p0 $0x88, s6;
	s7 =	simm.s32 @p2 $0x1082  }
0x22: {  	[simem:s7], [sflag:s8] =	dma.local @!p0 [hbm:s6], $0xF7A  }
0x23: {  	s9 =	sor.u32 $0xD0000000, s2;
	s6 =	simm.s32 $0x108;
	_ =	swait.ge @!p0 [sflag:s8], $0x0  }
0x24: {  	s3 =	sadd.s32 $0x88, s3;
	s6 =	simm.s32 @!p1 $0x1082;
	[sflag:s4] =	ssyncset.s32 $0xFFFFF086  }
0x25: {  	[simem:s6], [sflag:s4] =	dma.local [hbm:s3], $0xF7A  }
0x26: {  	[smem:$0x3F9F] =	sst s1;
	(tag) =	ssettag s2;
	_ =	strace s9  }
0x27: {  	s1 =	sld [smem:$0x3FAF]  }
0x28: {  	s2 =	sld [smem:$0x3FB0]  }
0x29: {  	s4 =	sld [smem:$0x3FB2]  }
0x2a: {  	p0 =	seq.s32 s5, $0x0;
	s5 =	sld [smem:$0x3FB3]  }
0x2b: {  	s6 =	sld [smem:$0x3FB4]  }
0x2c: {  	s7 =	sld [smem:$0x3FB5]  }
0x2d: {  	s3 =	simm.s32 $0x108;
	s8 =	sld [smem:$0x3FB6]  }
0x2e: {  	s3 =	simm.s32 @!p0 $0x1082;
	s9 =	sld [smem:$0x3FB7]  }
0x2f: {  	lr =	sadd.s32 s0, s3;
	s0 =	sld [smem:$0x3FAE]  }
0x30: {  	s3 =	sld [smem:$0x3FB1]  }
0x31: {  	[smem:$0x3FBA] =	sst s10  }
0x32: {  	s10 =	sld [smem:$0x3FB8];
	_ =	sdelay $0x3  }
0x33: {  	p0 =	seq.s32 s10, $0x1;
	s10 =	sld [smem:$0x3FBA];
	_ =	sdelay $0x3  }
0x34: {  	[smem:$0x3FBA] =	sst s10  }
0x35: {  	s10 =	sld [smem:$0x3FB9];
	_ =	sdelay $0x3  }
0x36: {  	p1 =	seq.s32 s10, $0x1;
	s10 =	sld [smem:$0x3FBA];
	_ =	sdelay $0x3  }
0x37: {  	[smem:$0x3FBA] =	sst s10  }
0x38: {  	s10 =	sld [smem:$0x3FBB]  }
0x39: {  	_ = 	snop;
	(pc) =	sbr.ind lr, $3  }
0x3a: {  	_ = 	snop  }
0x3b: {  	_ = 	snop  }
0x3c: {  	p2 =	seq.s32 s10, $0x1;
	s10 =	sld [smem:$0x3FBA]  }
0x3d: {  	_ =	shalt  }
0x3e: {  	_ =	shalt  }
0x3f: {  	_ =	shalt  }
0x40: {  	_ =	shalt  }
0x41: {  	_ =	shalt  }
0x42: {  	_ =	shalt  }
0x43: {  	_ =	shalt  }
0x44: {  	_ =	shalt  }
0x45: {  	_ =	shalt  }
0x46: {  	_ =	shalt  }
0x47: {  	_ =	shalt  }
0x48: {  	_ =	shalt  }
0x49: {  	_ =	shalt  }
0x4a: {  	_ =	shalt  }
0x4b: {  	_ =	shalt  }
0x4c: {  	_ =	shalt  }
0x4d: {  	_ =	shalt  }
0x4e: {  	_ =	shalt  }
0x4f: {  	_ =	shalt  }
0x50: {  	_ =	shalt  }
0x51: {  	_ =	shalt  }
0x52: {  	_ =	shalt  }
0x53: {  	_ =	shalt  }
0x54: {  	_ =	shalt  }
0x55: {  	_ =	shalt  }
0x56: {  	_ =	shalt  }
0x57: {  	_ =	shalt  }
0x58: {  	_ =	shalt  }
0x59: {  	_ =	shalt  }
0x5a: {  	_ =	shalt  }
0x5b: {  	_ =	shalt  }
0x5c: {  	_ =	shalt  }
0x5d: {  	_ =	shalt  }
0x5e: {  	_ =	shalt  }
0x5f: {  	_ =	shalt  }
0x60: {  	_ =	shalt  }
0x61: {  	_ =	shalt  }
0x62: {  	_ =	shalt  }
0x63: {  	_ =	shalt  }
0x64: {  	_ =	shalt  }
0x65: {  	_ =	shalt  }
0x66: {  	_ =	shalt  }
0x67: {  	_ =	shalt  }
0x68: {  	_ =	shalt  }
0x69: {  	_ =	shalt  }
0x6a: {  	_ =	shalt  }
0x6b: {  	_ =	shalt  }
0x6c: {  	_ =	shalt  }
0x6d: {  	_ =	shalt  }
0x6e: {  	_ =	shalt  }
0x6f: {  	_ =	shalt  }
0x70: {  	_ =	shalt  }
0x71: {  	_ =	shalt  }
0x72: {  	_ =	shalt  }
0x73: {  	_ =	shalt  }
0x74: {  	_ =	shalt  }
0x75: {  	_ =	shalt  }
0x76: {  	_ =	shalt  }
0x77: {  	_ =	shalt  }
0x78: {  	_ =	shalt  }
0x79: {  	_ =	shalt  }
0x7a: {  	_ =	shalt  }
0x7b: {  	_ =	shalt  }
0x7c: {  	_ =	shalt  }
0x7d: {  	_ =	shalt  }
0x7e: {  	_ =	shalt  }
0x7f: {  	_ =	shalt  }
0x80: {  	_ =	shalt  }
0x81: {  	_ =	shalt  }
0x82: {  	_ =	shalt  }
0x83: {  	_ =	shalt  }
0x84: {  	_ =	shalt  }
0x85: {  	_ =	shalt  }
0x86: {  	_ =	shalt  }
0x87: {  	_ =	shalt  }
.Lfunc_end0:
.L_simem_size_0:
called_computation_lowered:
.L_overlay_start_0:
0x88: {  	s2 =	sld [smem:$0x3FD9]  }
0x89: {  	s3 =	sld [smem:$0x3FFE];
	_ =	sdelay $0x1  }
0x8a: {  	s1 =	srdreg.scid  }
0x8b: {  	s0 =	sand.u32 $0x1, s1  }
0x8c: {  	s17 =	sshll.u32 s0, $0xA;
	s2 =	sadd.s32 s3, s2  }
0x8d: {  	s2 =	sadd.s32 s2, s17  }
0x8e: {  	[smem:$0x3FC6] =	sst s2  }
0x8f: {  	_ = 	snop  }
0x90: {  	s2 =	sld [smem:$0x3FC8]  }
0x91: {  	s18 =	sld [smem:$0x3FD0];
	(tm) =	ssettm $0x1  }
0x92: {  	s4 =	sld [smem:$0x3FFB];
	_ =	sdelay $0x3  }
0x93: {  	_ =	strace s4  }
0x94: {  	s4 =	sld [smem:$0x3FFC];
	_ =	sdelay $0x3  }
0x95: {  	_ =	strace s4  }
0x96: {  	s4 =	sld [smem:$0x3FFD];
	_ =	sdelay $0x3  }
0x97: {  	_ =	strace s4  }
0x98: {  	_ =	strace $0x8FFFFFFF  }
0x99: {  	s19 =	sld [smem:$0x3FDB];
	_ =	sdelay $0x1  }
0x9a: {  	s5 =	simm.s32 $_scs_section_size  }
0x9b: {  	s6 =	simm.s32 $_size__tile_overlayer_lowered;
	s7 =	simm.s32 $_tile_overlayer_lowered  }
0x9c: {  	s22 =	simm.s32 $0x1BFF;
	s21 =	sshll.u32 s7, $0x1;
	s4 =	sadd.s32 s5, s19  }
0x9d: {  	s8 =	simm.s32 $0x0;
	s20 =	sshll.u32 s6, $0x1;
	s6 =	sadd.s32 s21, s4  }
0x9e: {  	[timem:s8], [sflag:s22] =	dma.local [hbm:s6], s20  }
0x9f: {  	_ =	swait.ge [sflag:s22], s20  }
0xa0: {  	s5 =	ssub.s32 $0x0, s20;
	[sflag:s22] =	ssyncset.done $0x0  }
0xa1: {  	[sflag:s22] =	ssyncadd.s32 s5;
	_ =	sdelay $0x1  }
0xa2: {  	s23 =	simm.s32 $0x1B8B  }
0xa3: {  	_ =	swait.ge [sflag:s23], $0x1  }
0xa4: {  	[sflag:s23] =	ssyncset.done $0x0  }
0xa5: {  	s25 =	simm.s32 $0x1B8E;
	s24 =	sld [smem:$0x3FFE];
	[sflag:s23] =	ssyncadd.s32 $0xFFFFFFFF  }
0xa6: {  	s26 =	simm.s32 $execute0_lowered;
	[smem:$0x3FD2] =	sst s25  }
0xa7: {  	s6 =	sshll.u32 s26, $0x1;
	_ =	strace $0x80000046;
	[dreg:$0x1] =	wrdreg $0xFFFFFFFF  }
0xa8: {  	s28 =	simm.s32 $_size_execute0_lowered;
	s4 =	sadd.s32 s4, s6;
	[dreg:$0x0] =	wrdreg $0x0  }
0xa9: {  	s6 =	sshll.u32 s28, $0x1;
	[dreg:$0x2] =	wrdreg s4  }
0xaa: {  	[dreg:$0x3] =	wrdreg s6  }
0xab: {  	[dreg:$0x4] =	wrdreg $0xC0  }
0xac: {  	_ =	task [dreg:s8], $0x5FFFF  }
0xad: {  	[dreg:$0x1] =	wrdreg $0xFFFFFFFF  }
0xae: {  	[dreg:$0x0] =	wrdreg $0x60  }
0xaf: {  	[dreg:$0x2] =	wrdreg s24  }
0xb0: {  	[dreg:$0x3] =	wrdreg s2  }
0xb1: {  	[dreg:$0x4] =	wrdreg s18  }
0xb2: {  	[dreg:$0x5] =	wrdreg $0x9  }
0xb3: {  	_ =	task.clear_ibuf [dreg:s8], $0x6FFFF;
	_ =	strace $0x90000046  }
0xb4: {  	s29 =	simm.s32 $0x9;
	_ =	strace $0x80000048  }
0xb5: {  	_ =	swait.ge [sflag:s29], $0x1  }
0xb6: {  	[sflag:s29] =	ssyncadd.s32 $0xFFFFFFFF  }
0xb7: {  	_ =	strace $0x90000048  }
0xb8: {  	_ =	sfence  }
0xb9: {  	s30 =	sld [smem:$0x0];
	_ =	sdelay $0x2  }
0xba: {  	s31 =	sshll.u32 s1, $0xD;
	s1 =	sshrl.u32 s1, $0x2  }
0xbb: {  	s3 =	sand.u32 $0x4000, s31;
	s1 =	sadd.s32 s1, s30  }
0xbc: {  	s0 =	sor.u32 s3, s0;
	s1 =	sshll.u32 s1, $0x11  }
0xbd: {  	s0 =	sor.u32 s1, s0  }
0xbe: {  	s0 =	sadd.s32 $0x8F2B, s0  }
0xbf: {  	[sflag:s0] =	ssyncadd.remote.s32 $0x1  }
0xc0: {  	_ =	sfence.sel $0xFFFF  }
0xc1: {  	[dreg:$0x0] =	wrdreg $0xFFFFFFFF;
	(pc) =	sbr.abs _section_cstart, $3  }
0xc2: {  	[dreg:$0x1] =	wrdreg $0xFFFFFFFF  }
0xc3: {  	_ =	task.clear_ibuf [dreg:s8], $0x2FFFF;
	_ =	strace $0x9FFFFFFF  }
0xc4: {  	(tm) =	ssettm $0x7FFFFFFF  }
0xc5: {  	_ =	shalt  }
tec
execute0_lowered:
.L_overlay_start_1:
0x0: {  	(tag) =	ssettag $0x1  }
0x1: {  	s0 =	rddreg [dreg:$0x0]  }
0x2: {  	s1 =	srdreg.scid;
	s2 =	rddreg [dreg:$0x1]  }
0x3: {  	s7 =	stileid.u32;
	s4 =	rddreg [dreg:$0x2];
	s9 =	simm.s32 $0x2800  }
0x4: {  	s11 =	simm.s32 $0x5000;
	s13 =	simm.s32 $0x7800;
	s15 =	simm.s32 $0xA000  }
0x5: {  	s16 =	simm.s32 $0x1;
	s17 =	simm.s32 $0xC800;
	s18 =	simm.s32 $0x2  }
0x6: {  	s19 =	simm.s32 $0xF000;
	s20 =	simm.s32 $0x3;
	s21 =	simm.s32 $0x11800  }
0x7: {  	s22 =	simm.s32 $0x4;
	s23 =	simm.s32 $0x14000;
	s24 =	simm.s32 $0x5  }
0x8: {  	s25 =	simm.s32 $0x6;
	s26 =	simm.s32 $0x7;
	s28 =	simm.s32 $0x8  }
0x9: {  	s10 =	simm.s32 $0xE;
	s1 =	sand.u32 $0x1, s1;
	s3 =	sshll.u32 s7, $0x1  }
0xa: {  	s12 =	simm.s32 $0xF;
	s7 =	smul.u32 $0x32000, s7;
	s5 =	sor.u32 s1, s3  }
0xb: {  	s3 =	simm.s32 $0x0;
	s6 =	ssub.s32 $0x2, s1;
	s1 =	smul.u32 $0x19000, s1  }
0xc: {  	s14 =	simm.s32 $0x10;
	s5 =	smul.u32 $0x500, s5;
	[smem:$0x7FF] =	sst s3  }
.Ltmp0:
0xd: {  	s8 =	sshrl.u32 s6, $0x1;
	s4 =	sadd.s32 s7, s4;
	(pc) =	sbr.rel .LBB2_1-.Ltmp0, $4  }
0xe: {  	_ =	strace $0x80000047;
	s29 =	ssub.s32 s6, s8;
	s31 =	sadd.s32 s1, s4  }
0xf: {  	s0 =	sadd.s32 s5, s0;
	s30 =	smax.u32 s29, $0x1;
	[dreg:$0x6] =	wrdreg s31  }
0x10: {  	s8 =	simm.s32 $0x50;
	s0 =	sadd.s32 $0x400, s0;
	[dreg:$0x5] =	wrdreg s30  }
0x11: {  	s1 =	simm.s32 $0xC;
	s4 =	simm.s32 $0x0;
	[dreg:$0x4] =	wrdreg s0  }
.LBB2_4:
0x12: {  	s0 =	simm.s32 $0x9  }
0x13: {  	_ =	swait.ge [sflag:s0], $0x2800  }
0x14: {  	[sflag:s0] =	ssyncset.done $0x0  }
0x15: {  	s7 =	simm.s32 $0xA;
	[sflag:s0] =	ssyncadd.s32 $0xFFFFD800  }
0x16: {  	_ =	swait.ge [sflag:s7], $0x2800  }
0x17: {  	[sflag:s7] =	ssyncset.done $0x0  }
0x18: {  	s29 =	simm.s32 $0xB;
	[sflag:s7] =	ssyncadd.s32 $0xFFFFD800  }
0x19: {  	_ =	swait.ge [sflag:s29], $0x2800  }
0x1a: {  	[sflag:s29] =	ssyncset.done $0x0  }
0x1b: {  	[sflag:s29] =	ssyncadd.s32 $0xFFFFD800  }
0x1c: {  	_ =	swait.ge [sflag:s1], $0x2800  }
0x1d: {  	[sflag:s1] =	ssyncset.done $0x0  }
0x1e: {  	s30 =	simm.s32 $0xD;
	[sflag:s1] =	ssyncadd.s32 $0xFFFFD800  }
0x1f: {  	_ =	swait.ge [sflag:s30], $0x2800  }
0x20: {  	[sflag:s30] =	ssyncset.done $0x0  }
0x21: {  	[sflag:s30] =	ssyncadd.s32 $0xFFFFD800  }
0x22: {  	_ =	swait.ge [sflag:s10], $0x2800  }
0x23: {  	[sflag:s10] =	ssyncset.done $0x0  }
0x24: {  	[sflag:s10] =	ssyncadd.s32 $0xFFFFD800  }
0x25: {  	_ =	swait.ge [sflag:s12], $0x2800  }
0x26: {  	[sflag:s12] =	ssyncset.done $0x0  }
0x27: {  	[sflag:s12] =	ssyncadd.s32 $0xFFFFD800  }
0x28: {  	_ =	swait.ge [sflag:s14], $0x2800  }
0x29: {  	s4 =	sadd.s32 $0x1, s4;
	s31 =	rddreg [dreg:$0x5]  }
0x2a: {  	p0 =	sne.s32 s4, s31  }
.Ltmp1:
0x2b: {  	_ = 	snop;
	(pc) =	sbr.rel @!p0 .LBB2_5-.Ltmp1, $3  }
0x2c: {  	_ =	sdelay $0x1  }
0x2d: {  	[sflag:s14] =	ssyncset.done $0x0  }
0x2e: {  	[sflag:s14] =	ssyncadd.s32 $0xFFFFD800  }
.LBB2_1:
0x2f: {  	s0 =	rddreg [dreg:$0x4];
	s7 =	simm.s32 $0x11  }
0x30: {  	[tilespmem:s3], [sflag:$0x11] =	stream.linear.gather [hbm4b:s0+s3], $0x2800, $0x38;
	[tilespmem:$0x16800] =	vst v63  }
0x31: {  	_ =	swait.ge [sflag:s7], $0x2800  }
0x32: {  	[sflag:s7] =	ssyncset.done $0x0  }
0x33: {  	[sflag:s7] =	ssyncadd.s32 $0xFFFFD800  }
0x34: {  	[tilespmem:s9], [sflag:$0x1] =	stream.indirect.gather [hbm4b:s2+s8], $0x80, s3, s8, $0xb8;
	[tilespmem:$0x16800] =	vst v63  }
0x35: {  	s29 =	simm.s32 $0x80  }
0x36: {  	[tilespmem:s11], [sflag:$0x2] =	stream.indirect.gather [hbm4b:s2+s8], $0x80, s29, s8, $0xb8;
	[tilespmem:$0x16800] =	vst v63  }
0x37: {  	s30 =	simm.s32 $0x100  }
0x38: {  	[tilespmem:s13], [sflag:$0x3] =	stream.indirect.gather [hbm4b:s2+s8], $0x80, s30, s8, $0xb8;
	[tilespmem:$0x16800] =	vst v63  }
0x39: {  	s31 =	simm.s32 $0x180;
	s5 =	simm.s32 $0x0;
	s6 =	rddreg [dreg:$0x6]  }
0x3a: {  	[tilespmem:s15], [sflag:$0x4] =	stream.indirect.gather [hbm4b:s2+s8], $0x80, s31, s8, $0xb8;
	[tilespmem:$0x16800] =	vst v63  }
.LBB2_2:
0x3b: {  	_ =	swait.ge [sflag:s16], $0x2800  }
0x3c: {  	p0 =	seq.s32 s5, $0x0;
	[sflag:s16] =	ssyncset.done $0x0  }
0x3d: {  	s29 =	simm.s32 @!p0 $0xD;
	[sflag:s16] =	ssyncadd.s32 $0xFFFFD800  }
0x3e: {  	[hbm4b:s6+s3] =	stream.linear.scatter [tilespmem:s9], [sflag:$0x9], $0x2800, $0x38;
	[tilespmem:$0x16800] =	vst v63  }
0x3f: {  	_ =	swait.ge @!p0 [sflag:s29], $0x2800  }
0x40: {  	s7 =	sshra.s32 s5, $0x2;
	[sflag:s29] =	ssyncset.done @!p0 $0x0  }
0x41: {  	s31 =	sadd.s32 $0x200, s7;
	[sflag:s29] =	ssyncadd.s32 @!p0 $0xFFFFD800  }
0x42: {  	[tilespmem:s17], [sflag:$0x5] =	stream.indirect.gather [hbm4b:s2+s8], $0x80, s31, s8, $0xb8;
	[tilespmem:$0x16800] =	vst v63  }
0x43: {  	_ =	swait.ge [sflag:s18], $0x2800  }
0x44: {  	[sflag:s18] =	ssyncset.done $0x0  }
0x45: {  	s0 =	sadd.s32 $0x500, s6;
	s29 =	simm.s32 @!p0 $0xE;
	[sflag:s18] =	ssyncadd.s32 $0xFFFFD800  }
0x46: {  	[hbm4b:s0+s3] =	stream.linear.scatter [tilespmem:s11], [sflag:$0xA], $0x2800, $0x38;
	[tilespmem:$0x16800] =	vst v63  }
0x47: {  	_ =	swait.ge @!p0 [sflag:s29], $0x2800  }
0x48: {  	[sflag:s29] =	ssyncset.done @!p0 $0x0  }
0x49: {  	s30 =	sadd.s32 $0x280, s7;
	[sflag:s29] =	ssyncadd.s32 @!p0 $0xFFFFD800  }
0x4a: {  	[tilespmem:s19], [sflag:$0x6] =	stream.indirect.gather [hbm4b:s2+s8], $0x80, s30, s8, $0xb8;
	[tilespmem:$0x16800] =	vst v63  }
0x4b: {  	_ =	swait.ge [sflag:s20], $0x2800  }
0x4c: {  	[sflag:s20] =	ssyncset.done $0x0  }
0x4d: {  	s31 =	sadd.s32 $0xA00, s6;
	s29 =	simm.s32 @!p0 $0xF;
	[sflag:s20] =	ssyncadd.s32 $0xFFFFD800  }
0x4e: {  	[hbm4b:s31+s3] =	stream.linear.scatter [tilespmem:s13], [sflag:$0xB], $0x2800, $0x38;
	[tilespmem:$0x16800] =	vst v63  }
0x4f: {  	_ =	swait.ge @!p0 [sflag:s29], $0x2800  }
0x50: {  	[sflag:s29] =	ssyncset.done @!p0 $0x0  }
0x51: {  	s0 =	sadd.s32 $0x300, s7;
	[sflag:s29] =	ssyncadd.s32 @!p0 $0xFFFFD800  }
0x52: {  	[tilespmem:s21], [sflag:$0x7] =	stream.indirect.gather [hbm4b:s2+s8], $0x80, s0, s8, $0xb8;
	[tilespmem:$0x16800] =	vst v63  }
0x53: {  	_ =	swait.ge [sflag:s22], $0x2800  }
0x54: {  	[sflag:s22] =	ssyncset.done $0x0  }
0x55: {  	s30 =	sadd.s32 $0xF00, s6;
	s29 =	simm.s32 @!p0 $0x10;
	[sflag:s22] =	ssyncadd.s32 $0xFFFFD800  }
0x56: {  	[hbm4b:s30+s3] =	stream.linear.scatter [tilespmem:s15], [sflag:$0xC], $0x2800, $0x38;
	[tilespmem:$0x16800] =	vst v63  }
0x57: {  	_ =	swait.ge @!p0 [sflag:s29], $0x2800  }
0x58: {  	[sflag:s29] =	ssyncset.done @!p0 $0x0  }
0x59: {  	s31 =	sadd.s32 $0x380, s7;
	[sflag:s29] =	ssyncadd.s32 @!p0 $0xFFFFD800  }
0x5a: {  	[tilespmem:s23], [sflag:$0x8] =	stream.indirect.gather [hbm4b:s2+s8], $0x80, s31, s8, $0xb8;
	[tilespmem:$0x16800] =	vst v63  }
0x5b: {  	_ =	swait.ge [sflag:s24], $0x2800  }
0x5c: {  	p0 =	seq.s32 s5, $0x9000;
	[sflag:s24] =	ssyncset.done $0x0  }
0x5d: {  	s0 =	sadd.s32 $0x1400, s6;
	s29 =	simm.s32 @!p0 $0x9;
	[sflag:s24] =	ssyncadd.s32 $0xFFFFD800  }
0x5e: {  	[hbm4b:s0+s3] =	stream.linear.scatter [tilespmem:s17], [sflag:$0xD], $0x2800, $0x38;
	[tilespmem:$0x16800] =	vst v63  }
0x5f: {  	_ =	swait.ge @!p0 [sflag:s29], $0x2800  }
0x60: {  	[sflag:s29] =	ssyncset.done @!p0 $0x0  }
0x61: {  	[sflag:s29] =	ssyncadd.s32 @!p0 $0xFFFFD800;
	s29 =	sshra.s32 @!p0 s5, $0x2  }
0x62: {  	s31 =	simm.s32 @!p0 $0x50;
	s0 =	simm.s32 @!p0 $0x2800;
	s30 =	sadd.s32 @!p0 $0x400, s29  }
0x63: {  	[tilespmem:s0], [sflag:$0x1] =	stream.indirect.gather @!p0 [hbm4b:s2+s31], $0x80, s30, s31, $0xb8;
	[tilespmem:$0x16800] =	vst v63  }
0x64: {  	_ =	swait.ge [sflag:s25], $0x2800  }
0x65: {  	[sflag:s25] =	ssyncset.done $0x0  }
0x66: {  	s30 =	sadd.s32 $0x1900, s6;
	s0 =	simm.s32 @!p0 $0xA;
	[sflag:s25] =	ssyncadd.s32 $0xFFFFD800  }
0x67: {  	[hbm4b:s30+s3] =	stream.linear.scatter [tilespmem:s19], [sflag:$0xE], $0x2800, $0x38;
	[tilespmem:$0x16800] =	vst v63  }
0x68: {  	_ =	swait.ge @!p0 [sflag:s0], $0x2800  }
0x69: {  	[sflag:s0] =	ssyncset.done @!p0 $0x0  }
0x6a: {  	s30 =	simm.s32 @!p0 $0x5000;
	[sflag:s0] =	ssyncadd.s32 @!p0 $0xFFFFD800;
	s0 =	sadd.s32 @!p0 $0x480, s29  }
0x6b: {  	[tilespmem:s30], [sflag:$0x2] =	stream.indirect.gather @!p0 [hbm4b:s2+s31], $0x80, s0, s31, $0xb8;
	[tilespmem:$0x16800] =	vst v63  }
0x6c: {  	_ =	swait.ge [sflag:s26], $0x2800  }
0x6d: {  	[sflag:s26] =	ssyncset.done $0x0  }
0x6e: {  	s30 =	sadd.s32 $0x1E00, s6;
	s0 =	simm.s32 @!p0 $0xB;
	[sflag:s26] =	ssyncadd.s32 $0xFFFFD800  }
0x6f: {  	[hbm4b:s30+s3] =	stream.linear.scatter [tilespmem:s21], [sflag:$0xF], $0x2800, $0x38;
	[tilespmem:$0x16800] =	vst v63  }
0x70: {  	_ =	swait.ge @!p0 [sflag:s0], $0x2800  }
0x71: {  	[sflag:s0] =	ssyncset.done @!p0 $0x0  }
0x72: {  	[sflag:s0] =	ssyncadd.s32 @!p0 $0xFFFFD800;
	s0 =	sadd.s32 @!p0 $0x500, s29;
	s29 =	simm.s32 @!p0 $0x7800  }
0x73: {  	[tilespmem:s29], [sflag:$0x3] =	stream.indirect.gather @!p0 [hbm4b:s2+s31], $0x80, s0, s31, $0xb8;
	[tilespmem:$0x16800] =	vst v63  }
.Ltmp2:
0x74: {  	_ = 	snop;
	(pc) =	sbr.rel @p0 .LBB2_4-.Ltmp2, $4  }
0x75: {  	_ =	swait.ge [sflag:s28], $0x2800  }
0x76: {  	[sflag:s28] =	ssyncset.done $0x0  }
0x77: {  	s31 =	sadd.s32 $0x2300, s6;
	[sflag:s28] =	ssyncadd.s32 $0xFFFFD800  }
0x78: {  	[hbm4b:s31+s3] =	stream.linear.scatter [tilespmem:s23], [sflag:$0x10], $0x2800, $0x38;
	[tilespmem:$0x16800] =	vst v63  }
.Ltmp3:
0x79: {  	(pc) =	sbr.rel .LBB2_2-.Ltmp3, $4  }
0x7a: {  	_ =	swait.ge [sflag:s1], $0x2800  }
0x7b: {  	s0 =	sadd.s32 $0x580, s7;
	[sflag:s1] =	ssyncset.done $0x0  }
0x7c: {  	s5 =	sadd.s32 $0x1000, s5;
	s6 =	sadd.s32 $0x2800, s6;
	[sflag:s1] =	ssyncadd.s32 $0xFFFFD800  }
0x7d: {  	[tilespmem:s15], [sflag:$0x4] =	stream.indirect.gather [hbm4b:s2+s8], $0x80, s0, s8, $0xb8;
	[tilespmem:$0x16800] =	vst v63  }
.LBB2_5:
0x7e: {  	_ =	sfence.sel $0x180000  }
0x7f: {  	[bflag:$0x0] =	sbarrier.arrive $0xFFFF  }
0x80: {  	_ =	strace $0x90000047  }
0x81: {  	s0 =	stileid.u32;
	[bflag:$0x2] =	sbarrier.arrive $0xFFFF  }
0x82: {  	p0 =	sne.s32 s0, $0x0;
	s0 =	rddreg [dreg:$0x3]  }
0x83: {  	s0 =	sadd.s32 @!p0 $0x100000, s0  }
0x84: {  	[sflag:s0] =	ssyncadd.tile.s32 @!p0 $0x1;
	_ =	shalt  }
.Lfunc_end2:
_tile_overlayer_lowered:
.L_overlay_start_2:
0x85: {  	(tag) =	ssettag $0x2  }
0x86: {  	s0 =	rddreg [dreg:$0x0];
	s2 =	stileid.u32  }
0x87: {  	s1 =	rddreg [dreg:$0x1];
	p0 =	sne.s32 s2, $0x0  }
0x88: {  	s3 =	rddreg [dreg:$0x2];
	[bflag:$0x3] =	sbarrier.arrive $0xFFFF;
	s2 =	simm.s32 @!p0 $0x1C11  }
0x89: {  	[timem:s3], [sflag:s2] =	dma.local @!p0 [hbm:s0], s1  }
0x8a: {  	s0 =	simm.s32 @!p0 $0x11  }
0x8b: {  	_ =	swait.ge @!p0 [sflag:s0], s1  }
0x8c: {  	s1 =	ssub.s32 @!p0 $0x0, s1;
	[sflag:s0] =	ssyncset.done @!p0 $0x0  }
0x8d: {  	[sflag:s0] =	ssyncadd.s32 @!p0 s1  }
0x8e: {  	[bflag:$0x3] =	sbarrier.arrive $0xFFFF  }
0x8f: {  	_ =	shalt  }

</sc_bundles>
